<compile_context>
chip_gen: v7x
topology: tpu7x:2x2x1
jax: 0.10.2.dev20260603
libtpu: 0.0.44.dev20260713+nightly
codegen_flags: <defaults>
</compile_context>

<pallas_src>
import functools
import math

import jax
import jax.numpy as jnp
from jax import lax
from jax.experimental import pallas as pl
from jax.experimental.pallas import tpu as pltpu
from jax.experimental.pallas import tpu_sc as plsc

D = 128
SCALE = math.sqrt(float(D))

NC = 2
NS = 16
NW = NC * NS

CHUNK = 128
NBUF = 5


def _convert_body(lut_ref, out_ref):
    x = lut_ref[...] * SCALE
    lo = jax.lax.bitcast_convert_type(
        x[:, : D // 2].astype(jnp.bfloat16), jnp.uint16
    ).astype(jnp.int32)
    hi = jax.lax.bitcast_convert_type(
        x[:, D // 2 :].astype(jnp.bfloat16), jnp.uint16
    ).astype(jnp.int32)
    packed = lo | (hi << 16)
    pairs = packed.reshape(packed.shape[0] // 2, 2, D // 2)
    out_ref[...] = jnp.concatenate([pairs[:, 0, :], pairs[:, 1, :]], axis=1)


def _convert_lut(lut):
    rows = lut.shape[0]
    block = 10000
    packed = pl.pallas_call(
        _convert_body,
        out_shape=jax.ShapeDtypeStruct((rows // 2, D), jnp.int32),
        grid=(rows // block,),
        in_specs=[pl.BlockSpec((block, D), lambda i: (i, 0))],
        out_specs=pl.BlockSpec((block // 2, D), lambda i: (i, 0)),
    )(lut)
    return packed.reshape(rows, D // 2)


def _make_gather(B):
    assert B % (NW * CHUNK * NBUF) == 0
    b_per_w = B // NW
    n_groups = b_per_w // (CHUNK * NBUF)
    mesh = plsc.VectorSubcoreMesh(core_axis_name="c", subcore_axis_name="s")

    @functools.partial(
        pl.kernel,
        mesh=mesh,
        compiler_params=pltpu.CompilerParams(needs_layout_passes=False, use_tc_tiling_on_sc=False),
        out_type=jax.ShapeDtypeStruct((B, D), jnp.float32),
        scratch_types=[
            pltpu.VMEM((NBUF, CHUNK), jnp.int32),
            pltpu.VMEM((NBUF, CHUNK, D // 2), jnp.int32),
            pltpu.VMEM((NBUF, CHUNK, D), jnp.float32),
            [pltpu.SemaphoreType.DMA] * NBUF,
            [pltpu.SemaphoreType.DMA] * NBUF,
            [pltpu.SemaphoreType.DMA] * NBUF,
        ],
    )
    def gather(table_hbm, idx_hbm, out_hbm, idx_v, rows_g, rows_f, sem_i,
               sem_g, sem_o):
        wid = lax.axis_index("s") * NC + lax.axis_index("c")
        base = wid * b_per_w

        hi_mask = jnp.full((16,), -65536, dtype=jnp.int32)

        for b in range(NBUF):
            pltpu.async_copy(
                idx_hbm.at[pl.ds(base + b * CHUNK, CHUNK)], idx_v.at[b], sem_i[b]
            )

        def group(g, carry):
            goff = base + g * (CHUNK * NBUF)
            for b in range(NBUF):

                @pl.when(g > 0)
                def _():
                    pltpu.make_async_copy(
                        rows_f.at[b], out_hbm.at[pl.ds(goff + b * CHUNK, CHUNK)],
                        sem_o[b],
                    ).wait()

                pltpu.make_async_copy(
                    idx_hbm.at[pl.ds(goff + b * CHUNK, CHUNK)], idx_v.at[b],
                    sem_i[b],
                ).wait()
                pltpu.async_copy(table_hbm.at[idx_v.at[b]],
                                 rows_g.at[b], sem_g[b])

            for b in range(NBUF):
                pltpu.make_async_copy(
                    table_hbm.at[idx_v.at[b]], rows_g.at[b], sem_g[b]
                ).wait()

                @plsc.parallel_loop(0, CHUNK, step=1, unroll=2)
                def _(r):
                    for j in range(D // 32):
                        w = rows_g[b, r, pl.ds(j * 16, 16)]
                        lo = w * 65536
                        hi = w & hi_mask
                        rows_f[b, r, pl.ds(j * 16, 16)] = plsc.bitcast(
                            lo, jnp.float32)
                        rows_f[b, r, pl.ds(D // 2 + j * 16, 16)] = plsc.bitcast(
                            hi, jnp.float32)

                pltpu.async_copy(
                    rows_f.at[b], out_hbm.at[pl.ds(goff + b * CHUNK, CHUNK)],
                    sem_o[b],
                )

                @pl.when(g < n_groups - 1)
                def _():
                    pltpu.async_copy(
                        idx_hbm.at[pl.ds(goff + NBUF * CHUNK + b * CHUNK, CHUNK)],
                        idx_v.at[b],
                        sem_i[b],
                    )

            return carry

        lax.fori_loop(0, n_groups, group, 0)

        last = base + (n_groups - 1) * (CHUNK * NBUF)
        for b in range(NBUF):
            pltpu.make_async_copy(
                rows_f.at[b], out_hbm.at[pl.ds(last + b * CHUNK, CHUNK)], sem_o[b]
            ).wait()

    return gather


def kernel(x, lut):
    bt = x.shape[0] * x.shape[1]
    table_packed = _convert_lut(lut)
    flat = x.reshape(bt)
    out = _make_gather(bt)(table_packed, flat)
    return out.reshape(x.shape[0], x.shape[1], D)

# --- scband reference (transcript-rebuilt; emitter-appended) ---
"""Pipeline reference for scband-embedding-54546084659873 (READ-ONLY COPY).

The authoritative reference and input builder live on the scoring server;
editing this copy changes nothing except your own understanding.
"""

import jax, jax.numpy as jnp
import numpy as np
import math

VOCAB = 100000
D_MODEL = 128

def setup_inputs(seed: int = 0) -> dict:
    key = jax.random.key(seed)
    k1, k2 = jax.random.split(key)
    x = jax.random.randint(k1, (4096, 200), 0, VOCAB, dtype=jnp.int64 if jax.config.jax_enable_x64 else jnp.int32).astype(jnp.int32)
    lut = jax.random.normal(k2, (VOCAB, D_MODEL), dtype=jnp.float32)
    return {"x": x, "lut": lut}

def reference(x, lut):
    # Faithful translation of: self.lut(x) * math.sqrt(self.d_model)
    emb = jnp.take(lut, x, axis=0)
    return emb * math.sqrt(D_MODEL)

if __name__ == "__main__":
    import jax
    _d = setup_inputs()
    print(jax.jit(kernel)(*tuple(_d.values())))

</pallas_src>

<mosaic_0001>
#map = affine_map<(d0, d1) -> (0, 0)>
#map1 = affine_map<(d0, d1) -> (0)>
module attributes {stable_mosaic.version = 14 : i64} {
  func.func @gather(%arg0: i32, %arg1: i32, %arg2: memref<100000x64xi32, #tpu.memory_space<hbm>>, %arg3: memref<819200xi32, #tpu.memory_space<hbm>>, %arg4: memref<819200x128xf32, #tpu.memory_space<hbm>>, %arg5: memref<5x128xi32, #tpu.memory_space<vmem>>, %arg6: memref<5x128x64xi32, #tpu.memory_space<vmem>>, %arg7: memref<5x128x128xf32, #tpu.memory_space<vmem>>, %arg8: memref<!tpu.dma_semaphore, #tpu.memory_space<semaphore_mem>>, %arg9: memref<!tpu.dma_semaphore, #tpu.memory_space<semaphore_mem>>, %arg10: memref<!tpu.dma_semaphore, #tpu.memory_space<semaphore_mem>>, %arg11: memref<!tpu.dma_semaphore, #tpu.memory_space<semaphore_mem>>, %arg12: memref<!tpu.dma_semaphore, #tpu.memory_space<semaphore_mem>>, %arg13: memref<!tpu.dma_semaphore, #tpu.memory_space<semaphore_mem>>, %arg14: memref<!tpu.dma_semaphore, #tpu.memory_space<semaphore_mem>>, %arg15: memref<!tpu.dma_semaphore, #tpu.memory_space<semaphore_mem>>, %arg16: memref<!tpu.dma_semaphore, #tpu.memory_space<semaphore_mem>>, %arg17: memref<!tpu.dma_semaphore, #tpu.memory_space<semaphore_mem>>, %arg18: memref<!tpu.dma_semaphore, #tpu.memory_space<semaphore_mem>>, %arg19: memref<!tpu.dma_semaphore, #tpu.memory_space<semaphore_mem>>, %arg20: memref<!tpu.dma_semaphore, #tpu.memory_space<semaphore_mem>>, %arg21: memref<!tpu.dma_semaphore, #tpu.memory_space<semaphore_mem>>, %arg22: memref<!tpu.dma_semaphore, #tpu.memory_space<semaphore_mem>>) attributes {dimension_semantics = [#tpu.dimension_semantics<core_parallel>, #tpu.dimension_semantics<subcore_parallel>], iteration_bounds = array<i64: 2, 16>, scalar_prefetch = 0 : i64, scratch_operands = 18 : i64, tpu.core_type = #tpu.core_type<sc_vector_subcore>, window_params = [{transform_indices = #map}, {transform_indices = #map1}, {transform_indices = #map}]} {
    %mul3A = arith.constant 2 : i32
    %mul3A_0 = arith.muli %arg1, %mul3A : i32
    %add3A = arith.addi %mul3A_0, %arg0 : i32
    %mul3A_1 = arith.constant 25600 : i32
    %mul3A_2 = arith.muli %add3A, %mul3A_1 : i32
    %broadcast_in_dim3A = arith.constant -65536 : i32
    %broadcast_in_dim3A_3 = vector.broadcast %broadcast_in_dim3A : i32 to vector<16xi32>
    %add3A_4 = arith.constant 0 : i32
    %add3A_5 = arith.addi %mul3A_2, %add3A_4 : i32
    %dma_start3A = arith.constant 0 : i32
    %dma_start3A_6 = arith.constant 0 : i32
    %dma_start3A_7 = tpu.memref_slice %arg5[%dma_start3A, %dma_start3A_6] : memref<5x128xi32, #tpu.memory_space<vmem>> -> memref<1x128xi32, #tpu.memory_space<vmem>>
    %dma_start3A_8 = tpu.memref_squeeze %dma_start3A_7 : memref<1x128xi32, #tpu.memory_space<vmem>> -> memref<128xi32, #tpu.memory_space<vmem>>
    %dma_start3A_9 = tpu.memref_slice %arg3[%add3A_5] : memref<819200xi32, #tpu.memory_space<hbm>> -> memref<128xi32, #tpu.memory_space<hbm>>
    %dma_start3A_10 = arith.constant 0 : i32
    %dma_start3A_11 = tpu.memref_slice %arg5[%dma_start3A, %dma_start3A_10] : memref<5x128xi32, #tpu.memory_space<vmem>> -> memref<1x128xi32, #tpu.memory_space<vmem>>
    %dma_start3A_12 = tpu.memref_squeeze %dma_start3A_11 : memref<1x128xi32, #tpu.memory_space<vmem>> -> memref<128xi32, #tpu.memory_space<vmem>>
    %dma_start3A_13 = tpu.memref_slice %arg3[%add3A_5] : memref<819200xi32, #tpu.memory_space<hbm>> -> memref<128xi32, #tpu.memory_space<hbm>>
    tpu.enqueue_dma source(%dma_start3A_13 : memref<128xi32, #tpu.memory_space<hbm>>) target(%dma_start3A_12 : memref<128xi32, #tpu.memory_space<vmem>>) target_semaphore(%arg8 : memref<!tpu.dma_semaphore, #tpu.memory_space<semaphore_mem>>)
    %add3A_14 = arith.constant 128 : i32
    %add3A_15 = arith.addi %mul3A_2, %add3A_14 : i32
    %dma_start3A_16 = arith.constant 1 : i32
    %dma_start3A_17 = arith.constant 0 : i32
    %dma_start3A_18 = tpu.memref_slice %arg5[%dma_start3A_16, %dma_start3A_17] : memref<5x128xi32, #tpu.memory_space<vmem>> -> memref<1x128xi32, #tpu.memory_space<vmem>>
    %dma_start3A_19 = tpu.memref_squeeze %dma_start3A_18 : memref<1x128xi32, #tpu.memory_space<vmem>> -> memref<128xi32, #tpu.memory_space<vmem>>
    %dma_start3A_20 = tpu.memref_slice %arg3[%add3A_15] : memref<819200xi32, #tpu.memory_space<hbm>> -> memref<128xi32, #tpu.memory_space<hbm>>
    %dma_start3A_21 = arith.constant 0 : i32
    %dma_start3A_22 = tpu.memref_slice %arg5[%dma_start3A_16, %dma_start3A_21] : memref<5x128xi32, #tpu.memory_space<vmem>> -> memref<1x128xi32, #tpu.memory_space<vmem>>
    %dma_start3A_23 = tpu.memref_squeeze %dma_start3A_22 : memref<1x128xi32, #tpu.memory_space<vmem>> -> memref<128xi32, #tpu.memory_space<vmem>>
    %dma_start3A_24 = tpu.memref_slice %arg3[%add3A_15] : memref<819200xi32, #tpu.memory_space<hbm>> -> memref<128xi32, #tpu.memory_space<hbm>>
    tpu.enqueue_dma source(%dma_start3A_24 : memref<128xi32, #tpu.memory_space<hbm>>) target(%dma_start3A_23 : memref<128xi32, #tpu.memory_space<vmem>>) target_semaphore(%arg9 : memref<!tpu.dma_semaphore, #tpu.memory_space<semaphore_mem>>)
    %add3A_25 = arith.constant 256 : i32
    %add3A_26 = arith.addi %mul3A_2, %add3A_25 : i32
    %dma_start3A_27 = arith.constant 2 : i32
    %dma_start3A_28 = arith.constant 0 : i32
    %dma_start3A_29 = tpu.memref_slice %arg5[%dma_start3A_27, %dma_start3A_28] : memref<5x128xi32, #tpu.memory_space<vmem>> -> memref<1x128xi32, #tpu.memory_space<vmem>>
    %dma_start3A_30 = tpu.memref_squeeze %dma_start3A_29 : memref<1x128xi32, #tpu.memory_space<vmem>> -> memref<128xi32, #tpu.memory_space<vmem>>
    %dma_start3A_31 = tpu.memref_slice %arg3[%add3A_26] : memref<819200xi32, #tpu.memory_space<hbm>> -> memref<128xi32, #tpu.memory_space<hbm>>
    %dma_start3A_32 = arith.constant 0 : i32
    %dma_start3A_33 = tpu.memref_slice %arg5[%dma_start3A_27, %dma_start3A_32] : memref<5x128xi32, #tpu.memory_space<vmem>> -> memref<1x128xi32, #tpu.memory_space<vmem>>
    %dma_start3A_34 = tpu.memref_squeeze %dma_start3A_33 : memref<1x128xi32, #tpu.memory_space<vmem>> -> memref<128xi32, #tpu.memory_space<vmem>>
    %dma_start3A_35 = tpu.memref_slice %arg3[%add3A_26] : memref<819200xi32, #tpu.memory_space<hbm>> -> memref<128xi32, #tpu.memory_space<hbm>>
    tpu.enqueue_dma source(%dma_start3A_35 : memref<128xi32, #tpu.memory_space<hbm>>) target(%dma_start3A_34 : memref<128xi32, #tpu.memory_space<vmem>>) target_semaphore(%arg10 : memref<!tpu.dma_semaphore, #tpu.memory_space<semaphore_mem>>)
    %add3A_36 = arith.constant 384 : i32
    %add3A_37 = arith.addi %mul3A_2, %add3A_36 : i32
    %dma_start3A_38 = arith.constant 3 : i32
    %dma_start3A_39 = arith.constant 0 : i32
    %dma_start3A_40 = tpu.memref_slice %arg5[%dma_start3A_38, %dma_start3A_39] : memref<5x128xi32, #tpu.memory_space<vmem>> -> memref<1x128xi32, #tpu.memory_space<vmem>>
    %dma_start3A_41 = tpu.memref_squeeze %dma_start3A_40 : memref<1x128xi32, #tpu.memory_space<vmem>> -> memref<128xi32, #tpu.memory_space<vmem>>
    %dma_start3A_42 = tpu.memref_slice %arg3[%add3A_37] : memref<819200xi32, #tpu.memory_space<hbm>> -> memref<128xi32, #tpu.memory_space<hbm>>
    %dma_start3A_43 = arith.constant 0 : i32
    %dma_start3A_44 = tpu.memref_slice %arg5[%dma_start3A_38, %dma_start3A_43] : memref<5x128xi32, #tpu.memory_space<vmem>> -> memref<1x128xi32, #tpu.memory_space<vmem>>
    %dma_start3A_45 = tpu.memref_squeeze %dma_start3A_44 : memref<1x128xi32, #tpu.memory_space<vmem>> -> memref<128xi32, #tpu.memory_space<vmem>>
    %dma_start3A_46 = tpu.memref_slice %arg3[%add3A_37] : memref<819200xi32, #tpu.memory_space<hbm>> -> memref<128xi32, #tpu.memory_space<hbm>>
    tpu.enqueue_dma source(%dma_start3A_46 : memref<128xi32, #tpu.memory_space<hbm>>) target(%dma_start3A_45 : memref<128xi32, #tpu.memory_space<vmem>>) target_semaphore(%arg11 : memref<!tpu.dma_semaphore, #tpu.memory_space<semaphore_mem>>)
    %add3A_47 = arith.constant 512 : i32
    %add3A_48 = arith.addi %mul3A_2, %add3A_47 : i32
    %dma_start3A_49 = arith.constant 4 : i32
    %dma_start3A_50 = arith.constant 0 : i32
    %dma_start3A_51 = tpu.memref_slice %arg5[%dma_start3A_49, %dma_start3A_50] : memref<5x128xi32, #tpu.memory_space<vmem>> -> memref<1x128xi32, #tpu.memory_space<vmem>>
    %dma_start3A_52 = tpu.memref_squeeze %dma_start3A_51 : memref<1x128xi32, #tpu.memory_space<vmem>> -> memref<128xi32, #tpu.memory_space<vmem>>
    %dma_start3A_53 = tpu.memref_slice %arg3[%add3A_48] : memref<819200xi32, #tpu.memory_space<hbm>> -> memref<128xi32, #tpu.memory_space<hbm>>
    %dma_start3A_54 = arith.constant 0 : i32
    %dma_start3A_55 = tpu.memref_slice %arg5[%dma_start3A_49, %dma_start3A_54] : memref<5x128xi32, #tpu.memory_space<vmem>> -> memref<1x128xi32, #tpu.memory_space<vmem>>
    %dma_start3A_56 = tpu.memref_squeeze %dma_start3A_55 : memref<1x128xi32, #tpu.memory_space<vmem>> -> memref<128xi32, #tpu.memory_space<vmem>>
    %dma_start3A_57 = tpu.memref_slice %arg3[%add3A_48] : memref<819200xi32, #tpu.memory_space<hbm>> -> memref<128xi32, #tpu.memory_space<hbm>>
    tpu.enqueue_dma source(%dma_start3A_57 : memref<128xi32, #tpu.memory_space<hbm>>) target(%dma_start3A_56 : memref<128xi32, #tpu.memory_space<vmem>>) target_semaphore(%arg12 : memref<!tpu.dma_semaphore, #tpu.memory_space<semaphore_mem>>)
    %scan3A = arith.constant 0 : i32
    %scan3A_58 = arith.constant 0 : i32
    %scan3A_59 = arith.constant 40 : i32
    %scan3A_60 = arith.addi %scan3A_58, %scan3A_59 : i32
    %scan3A_61 = arith.constant 1 : i32
    scf.for %scan3A_139 = %scan3A_58 to %scan3A_60 step %scan3A_61  : i32 {
      %mul3A_140 = arith.constant 640 : i32
      %mul3A_141 = arith.muli %scan3A_139, %mul3A_140 : i32
      %add3A_142 = arith.addi %mul3A_2, %mul3A_141 : i32
      %gt3A = arith.constant 0 : i32
      %gt3A_143 = arith.cmpi sgt, %scan3A_139, %gt3A : i32
      %convert_element_type3A = arith.extui %gt3A_143 : i1 to i32
      %cond3A = arith.constant 0 : i32
      %cond3A_144 = arith.cmpi ne, %convert_element_type3A, %cond3A : i32
      scf.if %cond3A_144 {
        %add3A_453 = arith.constant 0 : i32
        %add3A_454 = arith.addi %add3A_142, %add3A_453 : i32
        %dma_wait3A_455 = arith.constant 0 : i32
        %dma_wait3A_456 = arith.constant 0 : i32
        %dma_wait3A_457 = arith.constant 0 : i32
        %dma_wait3A_458 = tpu.memref_slice %arg7[%dma_wait3A_455, %dma_wait3A_456, %dma_wait3A_457] : memref<5x128x128xf32, #tpu.memory_space<vmem>> -> memref<1x128x128xf32, #tpu.memory_space<vmem>>
        %dma_wait3A_459 = tpu.memref_squeeze %dma_wait3A_458 : memref<1x128x128xf32, #tpu.memory_space<vmem>> -> memref<128x128xf32, #tpu.memory_space<vmem>>
        %dma_wait3A_460 = arith.constant 0 : i32
        %dma_wait3A_461 = tpu.memref_slice %arg4[%add3A_454, %dma_wait3A_460] : memref<819200x128xf32, #tpu.memory_space<hbm>> -> memref<128x128xf32, #tpu.memory_space<hbm>>
        %dma_wait3A_462 = arith.constant 0 : i32
        %dma_wait3A_463 = tpu.memref_slice %arg4[%add3A_454, %dma_wait3A_462] : memref<819200x128xf32, #tpu.memory_space<hbm>> -> memref<128x128xf32, #tpu.memory_space<hbm>>
        %dma_wait3A_464 = arith.constant 0 : i32
        %dma_wait3A_465 = arith.constant 0 : i32
        %dma_wait3A_466 = tpu.memref_slice %arg7[%dma_wait3A_455, %dma_wait3A_464, %dma_wait3A_465] : memref<5x128x128xf32, #tpu.memory_space<vmem>> -> memref<1x128x128xf32, #tpu.memory_space<vmem>>
        %dma_wait3A_467 = tpu.memref_squeeze %dma_wait3A_466 : memref<1x128x128xf32, #tpu.memory_space<vmem>> -> memref<128x128xf32, #tpu.memory_space<vmem>>
        tpu.wait_dma2 semaphore(%arg18 : memref<!tpu.dma_semaphore, #tpu.memory_space<semaphore_mem>>) src(%dma_wait3A_467 : memref<128x128xf32, #tpu.memory_space<vmem>>) dst(%dma_wait3A_463 : memref<128x128xf32, #tpu.memory_space<hbm>>)
      } else {
      }
      %add3A_145 = arith.constant 0 : i32
      %add3A_146 = arith.addi %add3A_142, %add3A_145 : i32
      %dma_wait3A_147 = arith.constant 0 : i32
      %dma_wait3A_148 = arith.constant 0 : i32
      %dma_wait3A_149 = tpu.memref_slice %arg5[%dma_wait3A_147, %dma_wait3A_148] : memref<5x128xi32, #tpu.memory_space<vmem>> -> memref<1x128xi32, #tpu.memory_space<vmem>>
      %dma_wait3A_150 = tpu.memref_squeeze %dma_wait3A_149 : memref<1x128xi32, #tpu.memory_space<vmem>> -> memref<128xi32, #tpu.memory_space<vmem>>
      %dma_wait3A_151 = tpu.memref_slice %arg3[%add3A_146] : memref<819200xi32, #tpu.memory_space<hbm>> -> memref<128xi32, #tpu.memory_space<hbm>>
      %dma_wait3A_152 = arith.constant 0 : i32
      %dma_wait3A_153 = tpu.memref_slice %arg5[%dma_wait3A_147, %dma_wait3A_152] : memref<5x128xi32, #tpu.memory_space<vmem>> -> memref<1x128xi32, #tpu.memory_space<vmem>>
      %dma_wait3A_154 = tpu.memref_squeeze %dma_wait3A_153 : memref<1x128xi32, #tpu.memory_space<vmem>> -> memref<128xi32, #tpu.memory_space<vmem>>
      %dma_wait3A_155 = tpu.memref_slice %arg3[%add3A_146] : memref<819200xi32, #tpu.memory_space<hbm>> -> memref<128xi32, #tpu.memory_space<hbm>>
      tpu.wait_dma2 semaphore(%arg8 : memref<!tpu.dma_semaphore, #tpu.memory_space<semaphore_mem>>) src(%dma_wait3A_155 : memref<128xi32, #tpu.memory_space<hbm>>) dst(%dma_wait3A_154 : memref<128xi32, #tpu.memory_space<vmem>>)
      %dma_start3A_156 = arith.constant 0 : i32
      %dma_start3A_157 = arith.constant 0 : i32
      %dma_start3A_158 = arith.constant 0 : i32
      %dma_start3A_159 = arith.constant 0 : i32
      %dma_start3A_160 = tpu.memref_slice %arg6[%dma_start3A_157, %dma_start3A_158, %dma_start3A_159] : memref<5x128x64xi32, #tpu.memory_space<vmem>> -> memref<1x128x64xi32, #tpu.memory_space<vmem>>
      %dma_start3A_161 = tpu.memref_squeeze %dma_start3A_160 : memref<1x128x64xi32, #tpu.memory_space<vmem>> -> memref<128x64xi32, #tpu.memory_space<vmem>>
      %dma_start3A_162 = arith.constant 0 : i32
      %dma_start3A_163 = tpu.memref_slice %arg5[%dma_start3A_156, %dma_start3A_162] : memref<5x128xi32, #tpu.memory_space<vmem>> -> memref<1x128xi32, #tpu.memory_space<vmem>>
      %dma_start3A_164 = tpu.memref_squeeze %dma_start3A_163 : memref<1x128xi32, #tpu.memory_space<vmem>> -> memref<128xi32, #tpu.memory_space<vmem>>
      %dma_start3A_165 = arith.constant 0 : i32
      %dma_start3A_166 = arith.constant 0 : i32
      %dma_start3A_167 = tpu.memref_slice %arg2[%dma_start3A_165, %dma_start3A_166] : memref<100000x64xi32, #tpu.memory_space<hbm>> -> memref<100000x64xi32, #tpu.memory_space<hbm>>
      tpu.enqueue_indirect_dma source(%dma_start3A_167 : memref<100000x64xi32, #tpu.memory_space<hbm>>) target(%dma_start3A_161 : memref<128x64xi32, #tpu.memory_space<vmem>>) offsets(%dma_start3A_164 : memref<128xi32, #tpu.memory_space<vmem>>) semaphore(%arg13 : memref<!tpu.dma_semaphore, #tpu.memory_space<semaphore_mem>>)
      %gt3A_168 = arith.constant 0 : i32
      %gt3A_169 = arith.cmpi sgt, %scan3A_139, %gt3A_168 : i32
      %convert_element_type3A_170 = arith.extui %gt3A_169 : i1 to i32
      %cond3A_171 = arith.constant 0 : i32
      %cond3A_172 = arith.cmpi ne, %convert_element_type3A_170, %cond3A_171 : i32
      scf.if %cond3A_172 {
        %add3A_453 = arith.constant 128 : i32
        %add3A_454 = arith.addi %add3A_142, %add3A_453 : i32
        %dma_wait3A_455 = arith.constant 1 : i32
        %dma_wait3A_456 = arith.constant 0 : i32
        %dma_wait3A_457 = arith.constant 0 : i32
        %dma_wait3A_458 = tpu.memref_slice %arg7[%dma_wait3A_455, %dma_wait3A_456, %dma_wait3A_457] : memref<5x128x128xf32, #tpu.memory_space<vmem>> -> memref<1x128x128xf32, #tpu.memory_space<vmem>>
        %dma_wait3A_459 = tpu.memref_squeeze %dma_wait3A_458 : memref<1x128x128xf32, #tpu.memory_space<vmem>> -> memref<128x128xf32, #tpu.memory_space<vmem>>
        %dma_wait3A_460 = arith.constant 0 : i32
        %dma_wait3A_461 = tpu.memref_slice %arg4[%add3A_454, %dma_wait3A_460] : memref<819200x128xf32, #tpu.memory_space<hbm>> -> memref<128x128xf32, #tpu.memory_space<hbm>>
        %dma_wait3A_462 = arith.constant 0 : i32
        %dma_wait3A_463 = tpu.memref_slice %arg4[%add3A_454, %dma_wait3A_462] : memref<819200x128xf32, #tpu.memory_space<hbm>> -> memref<128x128xf32, #tpu.memory_space<hbm>>
        %dma_wait3A_464 = arith.constant 0 : i32
        %dma_wait3A_465 = arith.constant 0 : i32
        %dma_wait3A_466 = tpu.memref_slice %arg7[%dma_wait3A_455, %dma_wait3A_464, %dma_wait3A_465] : memref<5x128x128xf32, #tpu.memory_space<vmem>> -> memref<1x128x128xf32, #tpu.memory_space<vmem>>
        %dma_wait3A_467 = tpu.memref_squeeze %dma_wait3A_466 : memref<1x128x128xf32, #tpu.memory_space<vmem>> -> memref<128x128xf32, #tpu.memory_space<vmem>>
        tpu.wait_dma2 semaphore(%arg19 : memref<!tpu.dma_semaphore, #tpu.memory_space<semaphore_mem>>) src(%dma_wait3A_467 : memref<128x128xf32, #tpu.memory_space<vmem>>) dst(%dma_wait3A_463 : memref<128x128xf32, #tpu.memory_space<hbm>>)
      } else {
      }
      %add3A_173 = arith.constant 128 : i32
      %add3A_174 = arith.addi %add3A_142, %add3A_173 : i32
      %dma_wait3A_175 = arith.constant 1 : i32
      %dma_wait3A_176 = arith.constant 0 : i32
      %dma_wait3A_177 = tpu.memref_slice %arg5[%dma_wait3A_175, %dma_wait3A_176] : memref<5x128xi32, #tpu.memory_space<vmem>> -> memref<1x128xi32, #tpu.memory_space<vmem>>
      %dma_wait3A_178 = tpu.memref_squeeze %dma_wait3A_177 : memref<1x128xi32, #tpu.memory_space<vmem>> -> memref<128xi32, #tpu.memory_space<vmem>>
      %dma_wait3A_179 = tpu.memref_slice %arg3[%add3A_174] : memref<819200xi32, #tpu.memory_space<hbm>> -> memref<128xi32, #tpu.memory_space<hbm>>
      %dma_wait3A_180 = arith.constant 0 : i32
      %dma_wait3A_181 = tpu.memref_slice %arg5[%dma_wait3A_175, %dma_wait3A_180] : memref<5x128xi32, #tpu.memory_space<vmem>> -> memref<1x128xi32, #tpu.memory_space<vmem>>
      %dma_wait3A_182 = tpu.memref_squeeze %dma_wait3A_181 : memref<1x128xi32, #tpu.memory_space<vmem>> -> memref<128xi32, #tpu.memory_space<vmem>>
      %dma_wait3A_183 = tpu.memref_slice %arg3[%add3A_174] : memref<819200xi32, #tpu.memory_space<hbm>> -> memref<128xi32, #tpu.memory_space<hbm>>
      tpu.wait_dma2 semaphore(%arg9 : memref<!tpu.dma_semaphore, #tpu.memory_space<semaphore_mem>>) src(%dma_wait3A_183 : memref<128xi32, #tpu.memory_space<hbm>>) dst(%dma_wait3A_182 : memref<128xi32, #tpu.memory_space<vmem>>)
      %dma_start3A_184 = arith.constant 1 : i32
      %dma_start3A_185 = arith.constant 1 : i32
      %dma_start3A_186 = arith.constant 0 : i32
      %dma_start3A_187 = arith.constant 0 : i32
      %dma_start3A_188 = tpu.memref_slice %arg6[%dma_start3A_185, %dma_start3A_186, %dma_start3A_187] : memref<5x128x64xi32, #tpu.memory_space<vmem>> -> memref<1x128x64xi32, #tpu.memory_space<vmem>>
      %dma_start3A_189 = tpu.memref_squeeze %dma_start3A_188 : memref<1x128x64xi32, #tpu.memory_space<vmem>> -> memref<128x64xi32, #tpu.memory_space<vmem>>
      %dma_start3A_190 = arith.constant 0 : i32
      %dma_start3A_191 = tpu.memref_slice %arg5[%dma_start3A_184, %dma_start3A_190] : memref<5x128xi32, #tpu.memory_space<vmem>> -> memref<1x128xi32, #tpu.memory_space<vmem>>
      %dma_start3A_192 = tpu.memref_squeeze %dma_start3A_191 : memref<1x128xi32, #tpu.memory_space<vmem>> -> memref<128xi32, #tpu.memory_space<vmem>>
      %dma_start3A_193 = arith.constant 0 : i32
      %dma_start3A_194 = arith.constant 0 : i32
      %dma_start3A_195 = tpu.memref_slice %arg2[%dma_start3A_193, %dma_start3A_194] : memref<100000x64xi32, #tpu.memory_space<hbm>> -> memref<100000x64xi32, #tpu.memory_space<hbm>>
      tpu.enqueue_indirect_dma source(%dma_start3A_195 : memref<100000x64xi32, #tpu.memory_space<hbm>>) target(%dma_start3A_189 : memref<128x64xi32, #tpu.memory_space<vmem>>) offsets(%dma_start3A_192 : memref<128xi32, #tpu.memory_space<vmem>>) semaphore(%arg14 : memref<!tpu.dma_semaphore, #tpu.memory_space<semaphore_mem>>)
      %gt3A_196 = arith.constant 0 : i32
      %gt3A_197 = arith.cmpi sgt, %scan3A_139, %gt3A_196 : i32
      %convert_element_type3A_198 = arith.extui %gt3A_197 : i1 to i32
      %cond3A_199 = arith.constant 0 : i32
      %cond3A_200 = arith.cmpi ne, %convert_element_type3A_198, %cond3A_199 : i32
      scf.if %cond3A_200 {
        %add3A_453 = arith.constant 256 : i32
        %add3A_454 = arith.addi %add3A_142, %add3A_453 : i32
        %dma_wait3A_455 = arith.constant 2 : i32
        %dma_wait3A_456 = arith.constant 0 : i32
        %dma_wait3A_457 = arith.constant 0 : i32
        %dma_wait3A_458 = tpu.memref_slice %arg7[%dma_wait3A_455, %dma_wait3A_456, %dma_wait3A_457] : memref<5x128x128xf32, #tpu.memory_space<vmem>> -> memref<1x128x128xf32, #tpu.memory_space<vmem>>
        %dma_wait3A_459 = tpu.memref_squeeze %dma_wait3A_458 : memref<1x128x128xf32, #tpu.memory_space<vmem>> -> memref<128x128xf32, #tpu.memory_space<vmem>>
        %dma_wait3A_460 = arith.constant 0 : i32
        %dma_wait3A_461 = tpu.memref_slice %arg4[%add3A_454, %dma_wait3A_460] : memref<819200x128xf32, #tpu.memory_space<hbm>> -> memref<128x128xf32, #tpu.memory_space<hbm>>
        %dma_wait3A_462 = arith.constant 0 : i32
        %dma_wait3A_463 = tpu.memref_slice %arg4[%add3A_454, %dma_wait3A_462] : memref<819200x128xf32, #tpu.memory_space<hbm>> -> memref<128x128xf32, #tpu.memory_space<hbm>>
        %dma_wait3A_464 = arith.constant 0 : i32
        %dma_wait3A_465 = arith.constant 0 : i32
        %dma_wait3A_466 = tpu.memref_slice %arg7[%dma_wait3A_455, %dma_wait3A_464, %dma_wait3A_465] : memref<5x128x128xf32, #tpu.memory_space<vmem>> -> memref<1x128x128xf32, #tpu.memory_space<vmem>>
        %dma_wait3A_467 = tpu.memref_squeeze %dma_wait3A_466 : memref<1x128x128xf32, #tpu.memory_space<vmem>> -> memref<128x128xf32, #tpu.memory_space<vmem>>
        tpu.wait_dma2 semaphore(%arg20 : memref<!tpu.dma_semaphore, #tpu.memory_space<semaphore_mem>>) src(%dma_wait3A_467 : memref<128x128xf32, #tpu.memory_space<vmem>>) dst(%dma_wait3A_463 : memref<128x128xf32, #tpu.memory_space<hbm>>)
      } else {
      }
      %add3A_201 = arith.constant 256 : i32
      %add3A_202 = arith.addi %add3A_142, %add3A_201 : i32
      %dma_wait3A_203 = arith.constant 2 : i32
      %dma_wait3A_204 = arith.constant 0 : i32
      %dma_wait3A_205 = tpu.memref_slice %arg5[%dma_wait3A_203, %dma_wait3A_204] : memref<5x128xi32, #tpu.memory_space<vmem>> -> memref<1x128xi32, #tpu.memory_space<vmem>>
      %dma_wait3A_206 = tpu.memref_squeeze %dma_wait3A_205 : memref<1x128xi32, #tpu.memory_space<vmem>> -> memref<128xi32, #tpu.memory_space<vmem>>
      %dma_wait3A_207 = tpu.memref_slice %arg3[%add3A_202] : memref<819200xi32, #tpu.memory_space<hbm>> -> memref<128xi32, #tpu.memory_space<hbm>>
      %dma_wait3A_208 = arith.constant 0 : i32
      %dma_wait3A_209 = tpu.memref_slice %arg5[%dma_wait3A_203, %dma_wait3A_208] : memref<5x128xi32, #tpu.memory_space<vmem>> -> memref<1x128xi32, #tpu.memory_space<vmem>>
      %dma_wait3A_210 = tpu.memref_squeeze %dma_wait3A_209 : memref<1x128xi32, #tpu.memory_space<vmem>> -> memref<128xi32, #tpu.memory_space<vmem>>
      %dma_wait3A_211 = tpu.memref_slice %arg3[%add3A_202] : memref<819200xi32, #tpu.memory_space<hbm>> -> memref<128xi32, #tpu.memory_space<hbm>>
      tpu.wait_dma2 semaphore(%arg10 : memref<!tpu.dma_semaphore, #tpu.memory_space<semaphore_mem>>) src(%dma_wait3A_211 : memref<128xi32, #tpu.memory_space<hbm>>) dst(%dma_wait3A_210 : memref<128xi32, #tpu.memory_space<vmem>>)
      %dma_start3A_212 = arith.constant 2 : i32
      %dma_start3A_213 = arith.constant 2 : i32
      %dma_start3A_214 = arith.constant 0 : i32
      %dma_start3A_215 = arith.constant 0 : i32
      %dma_start3A_216 = tpu.memref_slice %arg6[%dma_start3A_213, %dma_start3A_214, %dma_start3A_215] : memref<5x128x64xi32, #tpu.memory_space<vmem>> -> memref<1x128x64xi32, #tpu.memory_space<vmem>>
      %dma_start3A_217 = tpu.memref_squeeze %dma_start3A_216 : memref<1x128x64xi32, #tpu.memory_space<vmem>> -> memref<128x64xi32, #tpu.memory_space<vmem>>
      %dma_start3A_218 = arith.constant 0 : i32
      %dma_start3A_219 = tpu.memref_slice %arg5[%dma_start3A_212, %dma_start3A_218] : memref<5x128xi32, #tpu.memory_space<vmem>> -> memref<1x128xi32, #tpu.memory_space<vmem>>
      %dma_start3A_220 = tpu.memref_squeeze %dma_start3A_219 : memref<1x128xi32, #tpu.memory_space<vmem>> -> memref<128xi32, #tpu.memory_space<vmem>>
      %dma_start3A_221 = arith.constant 0 : i32
      %dma_start3A_222 = arith.constant 0 : i32
      %dma_start3A_223 = tpu.memref_slice %arg2[%dma_start3A_221, %dma_start3A_222] : memref<100000x64xi32, #tpu.memory_space<hbm>> -> memref<100000x64xi32, #tpu.memory_space<hbm>>
      tpu.enqueue_indirect_dma source(%dma_start3A_223 : memref<100000x64xi32, #tpu.memory_space<hbm>>) target(%dma_start3A_217 : memref<128x64xi32, #tpu.memory_space<vmem>>) offsets(%dma_start3A_220 : memref<128xi32, #tpu.memory_space<vmem>>) semaphore(%arg15 : memref<!tpu.dma_semaphore, #tpu.memory_space<semaphore_mem>>)
      %gt3A_224 = arith.constant 0 : i32
      %gt3A_225 = arith.cmpi sgt, %scan3A_139, %gt3A_224 : i32
      %convert_element_type3A_226 = arith.extui %gt3A_225 : i1 to i32
      %cond3A_227 = arith.constant 0 : i32
      %cond3A_228 = arith.cmpi ne, %convert_element_type3A_226, %cond3A_227 : i32
      scf.if %cond3A_228 {
        %add3A_453 = arith.constant 384 : i32
        %add3A_454 = arith.addi %add3A_142, %add3A_453 : i32
        %dma_wait3A_455 = arith.constant 3 : i32
        %dma_wait3A_456 = arith.constant 0 : i32
        %dma_wait3A_457 = arith.constant 0 : i32
        %dma_wait3A_458 = tpu.memref_slice %arg7[%dma_wait3A_455, %dma_wait3A_456, %dma_wait3A_457] : memref<5x128x128xf32, #tpu.memory_space<vmem>> -> memref<1x128x128xf32, #tpu.memory_space<vmem>>
        %dma_wait3A_459 = tpu.memref_squeeze %dma_wait3A_458 : memref<1x128x128xf32, #tpu.memory_space<vmem>> -> memref<128x128xf32, #tpu.memory_space<vmem>>
        %dma_wait3A_460 = arith.constant 0 : i32
        %dma_wait3A_461 = tpu.memref_slice %arg4[%add3A_454, %dma_wait3A_460] : memref<819200x128xf32, #tpu.memory_space<hbm>> -> memref<128x128xf32, #tpu.memory_space<hbm>>
        %dma_wait3A_462 = arith.constant 0 : i32
        %dma_wait3A_463 = tpu.memref_slice %arg4[%add3A_454, %dma_wait3A_462] : memref<819200x128xf32, #tpu.memory_space<hbm>> -> memref<128x128xf32, #tpu.memory_space<hbm>>
        %dma_wait3A_464 = arith.constant 0 : i32
        %dma_wait3A_465 = arith.constant 0 : i32
        %dma_wait3A_466 = tpu.memref_slice %arg7[%dma_wait3A_455, %dma_wait3A_464, %dma_wait3A_465] : memref<5x128x128xf32, #tpu.memory_space<vmem>> -> memref<1x128x128xf32, #tpu.memory_space<vmem>>
        %dma_wait3A_467 = tpu.memref_squeeze %dma_wait3A_466 : memref<1x128x128xf32, #tpu.memory_space<vmem>> -> memref<128x128xf32, #tpu.memory_space<vmem>>
        tpu.wait_dma2 semaphore(%arg21 : memref<!tpu.dma_semaphore, #tpu.memory_space<semaphore_mem>>) src(%dma_wait3A_467 : memref<128x128xf32, #tpu.memory_space<vmem>>) dst(%dma_wait3A_463 : memref<128x128xf32, #tpu.memory_space<hbm>>)
      } else {
      }
      %add3A_229 = arith.constant 384 : i32
      %add3A_230 = arith.addi %add3A_142, %add3A_229 : i32
      %dma_wait3A_231 = arith.constant 3 : i32
      %dma_wait3A_232 = arith.constant 0 : i32
      %dma_wait3A_233 = tpu.memref_slice %arg5[%dma_wait3A_231, %dma_wait3A_232] : memref<5x128xi32, #tpu.memory_space<vmem>> -> memref<1x128xi32, #tpu.memory_space<vmem>>
      %dma_wait3A_234 = tpu.memref_squeeze %dma_wait3A_233 : memref<1x128xi32, #tpu.memory_space<vmem>> -> memref<128xi32, #tpu.memory_space<vmem>>
      %dma_wait3A_235 = tpu.memref_slice %arg3[%add3A_230] : memref<819200xi32, #tpu.memory_space<hbm>> -> memref<128xi32, #tpu.memory_space<hbm>>
      %dma_wait3A_236 = arith.constant 0 : i32
      %dma_wait3A_237 = tpu.memref_slice %arg5[%dma_wait3A_231, %dma_wait3A_236] : memref<5x128xi32, #tpu.memory_space<vmem>> -> memref<1x128xi32, #tpu.memory_space<vmem>>
      %dma_wait3A_238 = tpu.memref_squeeze %dma_wait3A_237 : memref<1x128xi32, #tpu.memory_space<vmem>> -> memref<128xi32, #tpu.memory_space<vmem>>
      %dma_wait3A_239 = tpu.memref_slice %arg3[%add3A_230] : memref<819200xi32, #tpu.memory_space<hbm>> -> memref<128xi32, #tpu.memory_space<hbm>>
      tpu.wait_dma2 semaphore(%arg11 : memref<!tpu.dma_semaphore, #tpu.memory_space<semaphore_mem>>) src(%dma_wait3A_239 : memref<128xi32, #tpu.memory_space<hbm>>) dst(%dma_wait3A_238 : memref<128xi32, #tpu.memory_space<vmem>>)
      %dma_start3A_240 = arith.constant 3 : i32
      %dma_start3A_241 = arith.constant 3 : i32
      %dma_start3A_242 = arith.constant 0 : i32
      %dma_start3A_243 = arith.constant 0 : i32
      %dma_start3A_244 = tpu.memref_slice %arg6[%dma_start3A_241, %dma_start3A_242, %dma_start3A_243] : memref<5x128x64xi32, #tpu.memory_space<vmem>> -> memref<1x128x64xi32, #tpu.memory_space<vmem>>
      %dma_start3A_245 = tpu.memref_squeeze %dma_start3A_244 : memref<1x128x64xi32, #tpu.memory_space<vmem>> -> memref<128x64xi32, #tpu.memory_space<vmem>>
      %dma_start3A_246 = arith.constant 0 : i32
      %dma_start3A_247 = tpu.memref_slice %arg5[%dma_start3A_240, %dma_start3A_246] : memref<5x128xi32, #tpu.memory_space<vmem>> -> memref<1x128xi32, #tpu.memory_space<vmem>>
      %dma_start3A_248 = tpu.memref_squeeze %dma_start3A_247 : memref<1x128xi32, #tpu.memory_space<vmem>> -> memref<128xi32, #tpu.memory_space<vmem>>
      %dma_start3A_249 = arith.constant 0 : i32
      %dma_start3A_250 = arith.constant 0 : i32
      %dma_start3A_251 = tpu.memref_slice %arg2[%dma_start3A_249, %dma_start3A_250] : memref<100000x64xi32, #tpu.memory_space<hbm>> -> memref<100000x64xi32, #tpu.memory_space<hbm>>
      tpu.enqueue_indirect_dma source(%dma_start3A_251 : memref<100000x64xi32, #tpu.memory_space<hbm>>) target(%dma_start3A_245 : memref<128x64xi32, #tpu.memory_space<vmem>>) offsets(%dma_start3A_248 : memref<128xi32, #tpu.memory_space<vmem>>) semaphore(%arg16 : memref<!tpu.dma_semaphore, #tpu.memory_space<semaphore_mem>>)
      %gt3A_252 = arith.constant 0 : i32
      %gt3A_253 = arith.cmpi sgt, %scan3A_139, %gt3A_252 : i32
      %convert_element_type3A_254 = arith.extui %gt3A_253 : i1 to i32
      %cond3A_255 = arith.constant 0 : i32
      %cond3A_256 = arith.cmpi ne, %convert_element_type3A_254, %cond3A_255 : i32
      scf.if %cond3A_256 {
        %add3A_453 = arith.constant 512 : i32
        %add3A_454 = arith.addi %add3A_142, %add3A_453 : i32
        %dma_wait3A_455 = arith.constant 4 : i32
        %dma_wait3A_456 = arith.constant 0 : i32
        %dma_wait3A_457 = arith.constant 0 : i32
        %dma_wait3A_458 = tpu.memref_slice %arg7[%dma_wait3A_455, %dma_wait3A_456, %dma_wait3A_457] : memref<5x128x128xf32, #tpu.memory_space<vmem>> -> memref<1x128x128xf32, #tpu.memory_space<vmem>>
        %dma_wait3A_459 = tpu.memref_squeeze %dma_wait3A_458 : memref<1x128x128xf32, #tpu.memory_space<vmem>> -> memref<128x128xf32, #tpu.memory_space<vmem>>
        %dma_wait3A_460 = arith.constant 0 : i32
        %dma_wait3A_461 = tpu.memref_slice %arg4[%add3A_454, %dma_wait3A_460] : memref<819200x128xf32, #tpu.memory_space<hbm>> -> memref<128x128xf32, #tpu.memory_space<hbm>>
        %dma_wait3A_462 = arith.constant 0 : i32
        %dma_wait3A_463 = tpu.memref_slice %arg4[%add3A_454, %dma_wait3A_462] : memref<819200x128xf32, #tpu.memory_space<hbm>> -> memref<128x128xf32, #tpu.memory_space<hbm>>
        %dma_wait3A_464 = arith.constant 0 : i32
        %dma_wait3A_465 = arith.constant 0 : i32
        %dma_wait3A_466 = tpu.memref_slice %arg7[%dma_wait3A_455, %dma_wait3A_464, %dma_wait3A_465] : memref<5x128x128xf32, #tpu.memory_space<vmem>> -> memref<1x128x128xf32, #tpu.memory_space<vmem>>
        %dma_wait3A_467 = tpu.memref_squeeze %dma_wait3A_466 : memref<1x128x128xf32, #tpu.memory_space<vmem>> -> memref<128x128xf32, #tpu.memory_space<vmem>>
        tpu.wait_dma2 semaphore(%arg22 : memref<!tpu.dma_semaphore, #tpu.memory_space<semaphore_mem>>) src(%dma_wait3A_467 : memref<128x128xf32, #tpu.memory_space<vmem>>) dst(%dma_wait3A_463 : memref<128x128xf32, #tpu.memory_space<hbm>>)
      } else {
      }
      %add3A_257 = arith.constant 512 : i32
      %add3A_258 = arith.addi %add3A_142, %add3A_257 : i32
      %dma_wait3A_259 = arith.constant 4 : i32
      %dma_wait3A_260 = arith.constant 0 : i32
      %dma_wait3A_261 = tpu.memref_slice %arg5[%dma_wait3A_259, %dma_wait3A_260] : memref<5x128xi32, #tpu.memory_space<vmem>> -> memref<1x128xi32, #tpu.memory_space<vmem>>
      %dma_wait3A_262 = tpu.memref_squeeze %dma_wait3A_261 : memref<1x128xi32, #tpu.memory_space<vmem>> -> memref<128xi32, #tpu.memory_space<vmem>>
      %dma_wait3A_263 = tpu.memref_slice %arg3[%add3A_258] : memref<819200xi32, #tpu.memory_space<hbm>> -> memref<128xi32, #tpu.memory_space<hbm>>
      %dma_wait3A_264 = arith.constant 0 : i32
      %dma_wait3A_265 = tpu.memref_slice %arg5[%dma_wait3A_259, %dma_wait3A_264] : memref<5x128xi32, #tpu.memory_space<vmem>> -> memref<1x128xi32, #tpu.memory_space<vmem>>
      %dma_wait3A_266 = tpu.memref_squeeze %dma_wait3A_265 : memref<1x128xi32, #tpu.memory_space<vmem>> -> memref<128xi32, #tpu.memory_space<vmem>>
      %dma_wait3A_267 = tpu.memref_slice %arg3[%add3A_258] : memref<819200xi32, #tpu.memory_space<hbm>> -> memref<128xi32, #tpu.memory_space<hbm>>
      tpu.wait_dma2 semaphore(%arg12 : memref<!tpu.dma_semaphore, #tpu.memory_space<semaphore_mem>>) src(%dma_wait3A_267 : memref<128xi32, #tpu.memory_space<hbm>>) dst(%dma_wait3A_266 : memref<128xi32, #tpu.memory_space<vmem>>)
      %dma_start3A_268 = arith.constant 4 : i32
      %dma_start3A_269 = arith.constant 4 : i32
      %dma_start3A_270 = arith.constant 0 : i32
      %dma_start3A_271 = arith.constant 0 : i32
      %dma_start3A_272 = tpu.memref_slice %arg6[%dma_start3A_269, %dma_start3A_270, %dma_start3A_271] : memref<5x128x64xi32, #tpu.memory_space<vmem>> -> memref<1x128x64xi32, #tpu.memory_space<vmem>>
      %dma_start3A_273 = tpu.memref_squeeze %dma_start3A_272 : memref<1x128x64xi32, #tpu.memory_space<vmem>> -> memref<128x64xi32, #tpu.memory_space<vmem>>
      %dma_start3A_274 = arith.constant 0 : i32
      %dma_start3A_275 = tpu.memref_slice %arg5[%dma_start3A_268, %dma_start3A_274] : memref<5x128xi32, #tpu.memory_space<vmem>> -> memref<1x128xi32, #tpu.memory_space<vmem>>
      %dma_start3A_276 = tpu.memref_squeeze %dma_start3A_275 : memref<1x128xi32, #tpu.memory_space<vmem>> -> memref<128xi32, #tpu.memory_space<vmem>>
      %dma_start3A_277 = arith.constant 0 : i32
      %dma_start3A_278 = arith.constant 0 : i32
      %dma_start3A_279 = tpu.memref_slice %arg2[%dma_start3A_277, %dma_start3A_278] : memref<100000x64xi32, #tpu.memory_space<hbm>> -> memref<100000x64xi32, #tpu.memory_space<hbm>>
      tpu.enqueue_indirect_dma source(%dma_start3A_279 : memref<100000x64xi32, #tpu.memory_space<hbm>>) target(%dma_start3A_273 : memref<128x64xi32, #tpu.memory_space<vmem>>) offsets(%dma_start3A_276 : memref<128xi32, #tpu.memory_space<vmem>>) semaphore(%arg17 : memref<!tpu.dma_semaphore, #tpu.memory_space<semaphore_mem>>)
      %dma_wait3A_280 = arith.constant 0 : i32
      %dma_wait3A_281 = arith.constant 0 : i32
      %dma_wait3A_282 = arith.constant 0 : i32
      %dma_wait3A_283 = arith.constant 0 : i32
      %dma_wait3A_284 = tpu.memref_slice %arg6[%dma_wait3A_281, %dma_wait3A_282, %dma_wait3A_283] : memref<5x128x64xi32, #tpu.memory_space<vmem>> -> memref<1x128x64xi32, #tpu.memory_space<vmem>>
      %dma_wait3A_285 = tpu.memref_squeeze %dma_wait3A_284 : memref<1x128x64xi32, #tpu.memory_space<vmem>> -> memref<128x64xi32, #tpu.memory_space<vmem>>
      %dma_wait3A_286 = arith.constant 0 : i32
      %dma_wait3A_287 = tpu.memref_slice %arg5[%dma_wait3A_280, %dma_wait3A_286] : memref<5x128xi32, #tpu.memory_space<vmem>> -> memref<1x128xi32, #tpu.memory_space<vmem>>
      %dma_wait3A_288 = tpu.memref_squeeze %dma_wait3A_287 : memref<1x128xi32, #tpu.memory_space<vmem>> -> memref<128xi32, #tpu.memory_space<vmem>>
      %dma_wait3A_289 = arith.constant 0 : i32
      %dma_wait3A_290 = arith.constant 0 : i32
      %dma_wait3A_291 = tpu.memref_slice %arg2[%dma_wait3A_289, %dma_wait3A_290] : memref<100000x64xi32, #tpu.memory_space<hbm>> -> memref<100000x64xi32, #tpu.memory_space<hbm>>
      tpu.wait_indirect_dma semaphore(%arg13 : memref<!tpu.dma_semaphore, #tpu.memory_space<semaphore_mem>>) src(%dma_wait3A_291 : memref<100000x64xi32, #tpu.memory_space<hbm>>) dst(%dma_wait3A_285 : memref<128x64xi32, #tpu.memory_space<vmem>>)
      %parallel_loop3A = arith.constant 0 : i32
      %parallel_loop3A_292 = arith.constant 128 : i32
      %parallel_loop3A_293 = arith.constant 1 : i32
      scf.for %parallel_loop3A_453 = %parallel_loop3A to %parallel_loop3A_292 step %parallel_loop3A_293  : i32 {
        %parallel_loop3A_454 = arith.constant 0 : i32
        %parallel_loop3A_455 = arith.index_cast %parallel_loop3A_454 : i32 to index
        %parallel_loop3A_456 = arith.index_cast %parallel_loop3A_453 : i32 to index
        %parallel_loop3A_457 = arith.constant 0 : index
        %parallel_loop3A_458 = tpu.vector_load %arg6[%parallel_loop3A_455, %parallel_loop3A_456, %parallel_loop3A_457] {strides = array<i32>} : memref<5x128x64xi32, #tpu.memory_space<vmem>>, vector<16xi32>,
        %parallel_loop3A_459 = arith.constant 65536 : i32
        %parallel_loop3A_460 = vector.broadcast %parallel_loop3A_459 : i32 to vector<16xi32>
        %parallel_loop3A_461 = arith.muli %parallel_loop3A_458, %parallel_loop3A_460 : vector<16xi32>
        %parallel_loop3A_462 = arith.andi %parallel_loop3A_458, %broadcast_in_dim3A_3 : vector<16xi32>
        %parallel_loop3A_463 = vector.bitcast %parallel_loop3A_461 : vector<16xi32> to vector<16xf32>
        %parallel_loop3A_464 = arith.constant 0 : i32
        %parallel_loop3A_465 = arith.index_cast %parallel_loop3A_464 : i32 to index
        %parallel_loop3A_466 = arith.index_cast %parallel_loop3A_453 : i32 to index
        %parallel_loop3A_467 = arith.constant 0 : index
        %parallel_loop3A_468 = tpu.vector_load %arg7[%parallel_loop3A_465, %parallel_loop3A_466, %parallel_loop3A_467] {strides = array<i32>} : memref<5x128x128xf32, #tpu.memory_space<vmem>>, vector<16xf32>,
        tpu.vector_store %arg7[%parallel_loop3A_465, %parallel_loop3A_466, %parallel_loop3A_467], %parallel_loop3A_463 {strides = array<i32>} : memref<5x128x128xf32, #tpu.memory_space<vmem>>, vector<16xf32>,
        %parallel_loop3A_469 = vector.bitcast %parallel_loop3A_462 : vector<16xi32> to vector<16xf32>
        %parallel_loop3A_470 = arith.constant 0 : i32
        %parallel_loop3A_471 = arith.index_cast %parallel_loop3A_470 : i32 to index
        %parallel_loop3A_472 = arith.index_cast %parallel_loop3A_453 : i32 to index
        %parallel_loop3A_473 = arith.constant 64 : index
        %parallel_loop3A_474 = tpu.vector_load %arg7[%parallel_loop3A_471, %parallel_loop3A_472, %parallel_loop3A_473] {strides = array<i32>} : memref<5x128x128xf32, #tpu.memory_space<vmem>>, vector<16xf32>,
        tpu.vector_store %arg7[%parallel_loop3A_471, %parallel_loop3A_472, %parallel_loop3A_473], %parallel_loop3A_469 {strides = array<i32>} : memref<5x128x128xf32, #tpu.memory_space<vmem>>, vector<16xf32>,
        %parallel_loop3A_475 = arith.constant 0 : i32
        %parallel_loop3A_476 = arith.index_cast %parallel_loop3A_475 : i32 to index
        %parallel_loop3A_477 = arith.index_cast %parallel_loop3A_453 : i32 to index
        %parallel_loop3A_478 = arith.constant 16 : index
        %parallel_loop3A_479 = tpu.vector_load %arg6[%parallel_loop3A_476, %parallel_loop3A_477, %parallel_loop3A_478] {strides = array<i32>} : memref<5x128x64xi32, #tpu.memory_space<vmem>>, vector<16xi32>,
        %parallel_loop3A_480 = arith.constant 65536 : i32
        %parallel_loop3A_481 = vector.broadcast %parallel_loop3A_480 : i32 to vector<16xi32>
        %parallel_loop3A_482 = arith.muli %parallel_loop3A_479, %parallel_loop3A_481 : vector<16xi32>
        %parallel_loop3A_483 = arith.andi %parallel_loop3A_479, %broadcast_in_dim3A_3 : vector<16xi32>
        %parallel_loop3A_484 = vector.bitcast %parallel_loop3A_482 : vector<16xi32> to vector<16xf32>
        %parallel_loop3A_485 = arith.constant 0 : i32
        %parallel_loop3A_486 = arith.index_cast %parallel_loop3A_485 : i32 to index
        %parallel_loop3A_487 = arith.index_cast %parallel_loop3A_453 : i32 to index
        %parallel_loop3A_488 = arith.constant 16 : index
        %parallel_loop3A_489 = tpu.vector_load %arg7[%parallel_loop3A_486, %parallel_loop3A_487, %parallel_loop3A_488] {strides = array<i32>} : memref<5x128x128xf32, #tpu.memory_space<vmem>>, vector<16xf32>,
        tpu.vector_store %arg7[%parallel_loop3A_486, %parallel_loop3A_487, %parallel_loop3A_488], %parallel_loop3A_484 {strides = array<i32>} : memref<5x128x128xf32, #tpu.memory_space<vmem>>, vector<16xf32>,
        %parallel_loop3A_490 = vector.bitcast %parallel_loop3A_483 : vector<16xi32> to vector<16xf32>
        %parallel_loop3A_491 = arith.constant 0 : i32
        %parallel_loop3A_492 = arith.index_cast %parallel_loop3A_491 : i32 to index
        %parallel_loop3A_493 = arith.index_cast %parallel_loop3A_453 : i32 to index
        %parallel_loop3A_494 = arith.constant 80 : index
        %parallel_loop3A_495 = tpu.vector_load %arg7[%parallel_loop3A_492, %parallel_loop3A_493, %parallel_loop3A_494] {strides = array<i32>} : memref<5x128x128xf32, #tpu.memory_space<vmem>>, vector<16xf32>,
        tpu.vector_store %arg7[%parallel_loop3A_492, %parallel_loop3A_493, %parallel_loop3A_494], %parallel_loop3A_490 {strides = array<i32>} : memref<5x128x128xf32, #tpu.memory_space<vmem>>, vector<16xf32>,
        %parallel_loop3A_496 = arith.constant 0 : i32
        %parallel_loop3A_497 = arith.index_cast %parallel_loop3A_496 : i32 to index
        %parallel_loop3A_498 = arith.index_cast %parallel_loop3A_453 : i32 to index
        %parallel_loop3A_499 = arith.constant 32 : index
        %parallel_loop3A_500 = tpu.vector_load %arg6[%parallel_loop3A_497, %parallel_loop3A_498, %parallel_loop3A_499] {strides = array<i32>} : memref<5x128x64xi32, #tpu.memory_space<vmem>>, vector<16xi32>,
        %parallel_loop3A_501 = arith.constant 65536 : i32
        %parallel_loop3A_502 = vector.broadcast %parallel_loop3A_501 : i32 to vector<16xi32>
        %parallel_loop3A_503 = arith.muli %parallel_loop3A_500, %parallel_loop3A_502 : vector<16xi32>
        %parallel_loop3A_504 = arith.andi %parallel_loop3A_500, %broadcast_in_dim3A_3 : vector<16xi32>
        %parallel_loop3A_505 = vector.bitcast %parallel_loop3A_503 : vector<16xi32> to vector<16xf32>
        %parallel_loop3A_506 = arith.constant 0 : i32
        %parallel_loop3A_507 = arith.index_cast %parallel_loop3A_506 : i32 to index
        %parallel_loop3A_508 = arith.index_cast %parallel_loop3A_453 : i32 to index
        %parallel_loop3A_509 = arith.constant 32 : index
        %parallel_loop3A_510 = tpu.vector_load %arg7[%parallel_loop3A_507, %parallel_loop3A_508, %parallel_loop3A_509] {strides = array<i32>} : memref<5x128x128xf32, #tpu.memory_space<vmem>>, vector<16xf32>,
        tpu.vector_store %arg7[%parallel_loop3A_507, %parallel_loop3A_508, %parallel_loop3A_509], %parallel_loop3A_505 {strides = array<i32>} : memref<5x128x128xf32, #tpu.memory_space<vmem>>, vector<16xf32>,
        %parallel_loop3A_511 = vector.bitcast %parallel_loop3A_504 : vector<16xi32> to vector<16xf32>
        %parallel_loop3A_512 = arith.constant 0 : i32
        %parallel_loop3A_513 = arith.index_cast %parallel_loop3A_512 : i32 to index
        %parallel_loop3A_514 = arith.index_cast %parallel_loop3A_453 : i32 to index
        %parallel_loop3A_515 = arith.constant 96 : index
        %parallel_loop3A_516 = tpu.vector_load %arg7[%parallel_loop3A_513, %parallel_loop3A_514, %parallel_loop3A_515] {strides = array<i32>} : memref<5x128x128xf32, #tpu.memory_space<vmem>>, vector<16xf32>,
        tpu.vector_store %arg7[%parallel_loop3A_513, %parallel_loop3A_514, %parallel_loop3A_515], %parallel_loop3A_511 {strides = array<i32>} : memref<5x128x128xf32, #tpu.memory_space<vmem>>, vector<16xf32>,
        %parallel_loop3A_517 = arith.constant 0 : i32
        %parallel_loop3A_518 = arith.index_cast %parallel_loop3A_517 : i32 to index
        %parallel_loop3A_519 = arith.index_cast %parallel_loop3A_453 : i32 to index
        %parallel_loop3A_520 = arith.constant 48 : index
        %parallel_loop3A_521 = tpu.vector_load %arg6[%parallel_loop3A_518, %parallel_loop3A_519, %parallel_loop3A_520] {strides = array<i32>} : memref<5x128x64xi32, #tpu.memory_space<vmem>>, vector<16xi32>,
        %parallel_loop3A_522 = arith.constant 65536 : i32
        %parallel_loop3A_523 = vector.broadcast %parallel_loop3A_522 : i32 to vector<16xi32>
        %parallel_loop3A_524 = arith.muli %parallel_loop3A_521, %parallel_loop3A_523 : vector<16xi32>
        %parallel_loop3A_525 = arith.andi %parallel_loop3A_521, %broadcast_in_dim3A_3 : vector<16xi32>
        %parallel_loop3A_526 = vector.bitcast %parallel_loop3A_524 : vector<16xi32> to vector<16xf32>
        %parallel_loop3A_527 = arith.constant 0 : i32
        %parallel_loop3A_528 = arith.index_cast %parallel_loop3A_527 : i32 to index
        %parallel_loop3A_529 = arith.index_cast %parallel_loop3A_453 : i32 to index
        %parallel_loop3A_530 = arith.constant 48 : index
        %parallel_loop3A_531 = tpu.vector_load %arg7[%parallel_loop3A_528, %parallel_loop3A_529, %parallel_loop3A_530] {strides = array<i32>} : memref<5x128x128xf32, #tpu.memory_space<vmem>>, vector<16xf32>,
        tpu.vector_store %arg7[%parallel_loop3A_528, %parallel_loop3A_529, %parallel_loop3A_530], %parallel_loop3A_526 {strides = array<i32>} : memref<5x128x128xf32, #tpu.memory_space<vmem>>, vector<16xf32>,
        %parallel_loop3A_532 = vector.bitcast %parallel_loop3A_525 : vector<16xi32> to vector<16xf32>
        %parallel_loop3A_533 = arith.constant 0 : i32
        %parallel_loop3A_534 = arith.index_cast %parallel_loop3A_533 : i32 to index
        %parallel_loop3A_535 = arith.index_cast %parallel_loop3A_453 : i32 to index
        %parallel_loop3A_536 = arith.constant 112 : index
        %parallel_loop3A_537 = tpu.vector_load %arg7[%parallel_loop3A_534, %parallel_loop3A_535, %parallel_loop3A_536] {strides = array<i32>} : memref<5x128x128xf32, #tpu.memory_space<vmem>>, vector<16xf32>,
        tpu.vector_store %arg7[%parallel_loop3A_534, %parallel_loop3A_535, %parallel_loop3A_536], %parallel_loop3A_532 {strides = array<i32>} : memref<5x128x128xf32, #tpu.memory_space<vmem>>, vector<16xf32>,
      } {sc.loop_unroll_factor = 2 : i64, sc.parallel_access}
      %add3A_294 = arith.constant 0 : i32
      %add3A_295 = arith.addi %add3A_142, %add3A_294 : i32
      %dma_start3A_296 = arith.constant 0 : i32
      %dma_start3A_297 = arith.constant 0 : i32
      %dma_start3A_298 = arith.constant 0 : i32
      %dma_start3A_299 = tpu.memref_slice %arg7[%dma_start3A_296, %dma_start3A_297, %dma_start3A_298] : memref<5x128x128xf32, #tpu.memory_space<vmem>> -> memref<1x128x128xf32, #tpu.memory_space<vmem>>
      %dma_start3A_300 = tpu.memref_squeeze %dma_start3A_299 : memref<1x128x128xf32, #tpu.memory_space<vmem>> -> memref<128x128xf32, #tpu.memory_space<vmem>>
      %dma_start3A_301 = arith.constant 0 : i32
      %dma_start3A_302 = tpu.memref_slice %arg4[%add3A_295, %dma_start3A_301] : memref<819200x128xf32, #tpu.memory_space<hbm>> -> memref<128x128xf32, #tpu.memory_space<hbm>>
      %dma_start3A_303 = arith.constant 0 : i32
      %dma_start3A_304 = tpu.memref_slice %arg4[%add3A_295, %dma_start3A_303] : memref<819200x128xf32, #tpu.memory_space<hbm>> -> memref<128x128xf32, #tpu.memory_space<hbm>>
      %dma_start3A_305 = arith.constant 0 : i32
      %dma_start3A_306 = arith.constant 0 : i32
      %dma_start3A_307 = tpu.memref_slice %arg7[%dma_start3A_296, %dma_start3A_305, %dma_start3A_306] : memref<5x128x128xf32, #tpu.memory_space<vmem>> -> memref<1x128x128xf32, #tpu.memory_space<vmem>>
      %dma_start3A_308 = tpu.memref_squeeze %dma_start3A_307 : memref<1x128x128xf32, #tpu.memory_space<vmem>> -> memref<128x128xf32, #tpu.memory_space<vmem>>
      tpu.enqueue_dma source(%dma_start3A_308 : memref<128x128xf32, #tpu.memory_space<vmem>>) target(%dma_start3A_304 : memref<128x128xf32, #tpu.memory_space<hbm>>) target_semaphore(%arg18 : memref<!tpu.dma_semaphore, #tpu.memory_space<semaphore_mem>>)
      %lt3A = arith.constant 39 : i32
      %lt3A_309 = arith.cmpi slt, %scan3A_139, %lt3A : i32
      %convert_element_type3A_310 = arith.extui %lt3A_309 : i1 to i32
      %cond3A_311 = arith.constant 0 : i32
      %cond3A_312 = arith.cmpi ne, %convert_element_type3A_310, %cond3A_311 : i32
      scf.if %cond3A_312 {
        %add3A_453 = arith.constant 640 : i32
        %add3A_454 = arith.addi %add3A_142, %add3A_453 : i32
        %add3A_455 = arith.constant 0 : i32
        %add3A_456 = arith.addi %add3A_454, %add3A_455 : i32
        %dma_start3A_457 = arith.constant 0 : i32
        %dma_start3A_458 = arith.constant 0 : i32
        %dma_start3A_459 = tpu.memref_slice %arg5[%dma_start3A_457, %dma_start3A_458] : memref<5x128xi32, #tpu.memory_space<vmem>> -> memref<1x128xi32, #tpu.memory_space<vmem>>
        %dma_start3A_460 = tpu.memref_squeeze %dma_start3A_459 : memref<1x128xi32, #tpu.memory_space<vmem>> -> memref<128xi32, #tpu.memory_space<vmem>>
        %dma_start3A_461 = tpu.memref_slice %arg3[%add3A_456] : memref<819200xi32, #tpu.memory_space<hbm>> -> memref<128xi32, #tpu.memory_space<hbm>>
        %dma_start3A_462 = arith.constant 0 : i32
        %dma_start3A_463 = tpu.memref_slice %arg5[%dma_start3A_457, %dma_start3A_462] : memref<5x128xi32, #tpu.memory_space<vmem>> -> memref<1x128xi32, #tpu.memory_space<vmem>>
        %dma_start3A_464 = tpu.memref_squeeze %dma_start3A_463 : memref<1x128xi32, #tpu.memory_space<vmem>> -> memref<128xi32, #tpu.memory_space<vmem>>
        %dma_start3A_465 = tpu.memref_slice %arg3[%add3A_456] : memref<819200xi32, #tpu.memory_space<hbm>> -> memref<128xi32, #tpu.memory_space<hbm>>
        tpu.enqueue_dma source(%dma_start3A_465 : memref<128xi32, #tpu.memory_space<hbm>>) target(%dma_start3A_464 : memref<128xi32, #tpu.memory_space<vmem>>) target_semaphore(%arg8 : memref<!tpu.dma_semaphore, #tpu.memory_space<semaphore_mem>>)
      } else {
      }
      %dma_wait3A_313 = arith.constant 1 : i32
      %dma_wait3A_314 = arith.constant 1 : i32
      %dma_wait3A_315 = arith.constant 0 : i32
      %dma_wait3A_316 = arith.constant 0 : i32
      %dma_wait3A_317 = tpu.memref_slice %arg6[%dma_wait3A_314, %dma_wait3A_315, %dma_wait3A_316] : memref<5x128x64xi32, #tpu.memory_space<vmem>> -> memref<1x128x64xi32, #tpu.memory_space<vmem>>
      %dma_wait3A_318 = tpu.memref_squeeze %dma_wait3A_317 : memref<1x128x64xi32, #tpu.memory_space<vmem>> -> memref<128x64xi32, #tpu.memory_space<vmem>>
      %dma_wait3A_319 = arith.constant 0 : i32
      %dma_wait3A_320 = tpu.memref_slice %arg5[%dma_wait3A_313, %dma_wait3A_319] : memref<5x128xi32, #tpu.memory_space<vmem>> -> memref<1x128xi32, #tpu.memory_space<vmem>>
      %dma_wait3A_321 = tpu.memref_squeeze %dma_wait3A_320 : memref<1x128xi32, #tpu.memory_space<vmem>> -> memref<128xi32, #tpu.memory_space<vmem>>
      %dma_wait3A_322 = arith.constant 0 : i32
      %dma_wait3A_323 = arith.constant 0 : i32
      %dma_wait3A_324 = tpu.memref_slice %arg2[%dma_wait3A_322, %dma_wait3A_323] : memref<100000x64xi32, #tpu.memory_space<hbm>> -> memref<100000x64xi32, #tpu.memory_space<hbm>>
      tpu.wait_indirect_dma semaphore(%arg14 : memref<!tpu.dma_semaphore, #tpu.memory_space<semaphore_mem>>) src(%dma_wait3A_324 : memref<100000x64xi32, #tpu.memory_space<hbm>>) dst(%dma_wait3A_318 : memref<128x64xi32, #tpu.memory_space<vmem>>)
      %parallel_loop3A_325 = arith.constant 0 : i32
      %parallel_loop3A_326 = arith.constant 128 : i32
      %parallel_loop3A_327 = arith.constant 1 : i32
      scf.for %parallel_loop3A_453 = %parallel_loop3A_325 to %parallel_loop3A_326 step %parallel_loop3A_327  : i32 {
        %parallel_loop3A_454 = arith.constant 1 : i32
        %parallel_loop3A_455 = arith.index_cast %parallel_loop3A_454 : i32 to index
        %parallel_loop3A_456 = arith.index_cast %parallel_loop3A_453 : i32 to index
        %parallel_loop3A_457 = arith.constant 0 : index
        %parallel_loop3A_458 = tpu.vector_load %arg6[%parallel_loop3A_455, %parallel_loop3A_456, %parallel_loop3A_457] {strides = array<i32>} : memref<5x128x64xi32, #tpu.memory_space<vmem>>, vector<16xi32>,
        %parallel_loop3A_459 = arith.constant 65536 : i32
        %parallel_loop3A_460 = vector.broadcast %parallel_loop3A_459 : i32 to vector<16xi32>
        %parallel_loop3A_461 = arith.muli %parallel_loop3A_458, %parallel_loop3A_460 : vector<16xi32>
        %parallel_loop3A_462 = arith.andi %parallel_loop3A_458, %broadcast_in_dim3A_3 : vector<16xi32>
        %parallel_loop3A_463 = vector.bitcast %parallel_loop3A_461 : vector<16xi32> to vector<16xf32>
        %parallel_loop3A_464 = arith.constant 1 : i32
        %parallel_loop3A_465 = arith.index_cast %parallel_loop3A_464 : i32 to index
        %parallel_loop3A_466 = arith.index_cast %parallel_loop3A_453 : i32 to index
        %parallel_loop3A_467 = arith.constant 0 : index
        %parallel_loop3A_468 = tpu.vector_load %arg7[%parallel_loop3A_465, %parallel_loop3A_466, %parallel_loop3A_467] {strides = array<i32>} : memref<5x128x128xf32, #tpu.memory_space<vmem>>, vector<16xf32>,
        tpu.vector_store %arg7[%parallel_loop3A_465, %parallel_loop3A_466, %parallel_loop3A_467], %parallel_loop3A_463 {strides = array<i32>} : memref<5x128x128xf32, #tpu.memory_space<vmem>>, vector<16xf32>,
        %parallel_loop3A_469 = vector.bitcast %parallel_loop3A_462 : vector<16xi32> to vector<16xf32>
        %parallel_loop3A_470 = arith.constant 1 : i32
        %parallel_loop3A_471 = arith.index_cast %parallel_loop3A_470 : i32 to index
        %parallel_loop3A_472 = arith.index_cast %parallel_loop3A_453 : i32 to index
        %parallel_loop3A_473 = arith.constant 64 : index
        %parallel_loop3A_474 = tpu.vector_load %arg7[%parallel_loop3A_471, %parallel_loop3A_472, %parallel_loop3A_473] {strides = array<i32>} : memref<5x128x128xf32, #tpu.memory_space<vmem>>, vector<16xf32>,
        tpu.vector_store %arg7[%parallel_loop3A_471, %parallel_loop3A_472, %parallel_loop3A_473], %parallel_loop3A_469 {strides = array<i32>} : memref<5x128x128xf32, #tpu.memory_space<vmem>>, vector<16xf32>,
        %parallel_loop3A_475 = arith.constant 1 : i32
        %parallel_loop3A_476 = arith.index_cast %parallel_loop3A_475 : i32 to index
        %parallel_loop3A_477 = arith.index_cast %parallel_loop3A_453 : i32 to index
        %parallel_loop3A_478 = arith.constant 16 : index
        %parallel_loop3A_479 = tpu.vector_load %arg6[%parallel_loop3A_476, %parallel_loop3A_477, %parallel_loop3A_478] {strides = array<i32>} : memref<5x128x64xi32, #tpu.memory_space<vmem>>, vector<16xi32>,
        %parallel_loop3A_480 = arith.constant 65536 : i32
        %parallel_loop3A_481 = vector.broadcast %parallel_loop3A_480 : i32 to vector<16xi32>
        %parallel_loop3A_482 = arith.muli %parallel_loop3A_479, %parallel_loop3A_481 : vector<16xi32>
        %parallel_loop3A_483 = arith.andi %parallel_loop3A_479, %broadcast_in_dim3A_3 : vector<16xi32>
        %parallel_loop3A_484 = vector.bitcast %parallel_loop3A_482 : vector<16xi32> to vector<16xf32>
        %parallel_loop3A_485 = arith.constant 1 : i32
        %parallel_loop3A_486 = arith.index_cast %parallel_loop3A_485 : i32 to index
        %parallel_loop3A_487 = arith.index_cast %parallel_loop3A_453 : i32 to index
        %parallel_loop3A_488 = arith.constant 16 : index
        %parallel_loop3A_489 = tpu.vector_load %arg7[%parallel_loop3A_486, %parallel_loop3A_487, %parallel_loop3A_488] {strides = array<i32>} : memref<5x128x128xf32, #tpu.memory_space<vmem>>, vector<16xf32>,
        tpu.vector_store %arg7[%parallel_loop3A_486, %parallel_loop3A_487, %parallel_loop3A_488], %parallel_loop3A_484 {strides = array<i32>} : memref<5x128x128xf32, #tpu.memory_space<vmem>>, vector<16xf32>,
        %parallel_loop3A_490 = vector.bitcast %parallel_loop3A_483 : vector<16xi32> to vector<16xf32>
        %parallel_loop3A_491 = arith.constant 1 : i32
        %parallel_loop3A_492 = arith.index_cast %parallel_loop3A_491 : i32 to index
        %parallel_loop3A_493 = arith.index_cast %parallel_loop3A_453 : i32 to index
        %parallel_loop3A_494 = arith.constant 80 : index
        %parallel_loop3A_495 = tpu.vector_load %arg7[%parallel_loop3A_492, %parallel_loop3A_493, %parallel_loop3A_494] {strides = array<i32>} : memref<5x128x128xf32, #tpu.memory_space<vmem>>, vector<16xf32>,
        tpu.vector_store %arg7[%parallel_loop3A_492, %parallel_loop3A_493, %parallel_loop3A_494], %parallel_loop3A_490 {strides = array<i32>} : memref<5x128x128xf32, #tpu.memory_space<vmem>>, vector<16xf32>,
        %parallel_loop3A_496 = arith.constant 1 : i32
        %parallel_loop3A_497 = arith.index_cast %parallel_loop3A_496 : i32 to index
        %parallel_loop3A_498 = arith.index_cast %parallel_loop3A_453 : i32 to index
        %parallel_loop3A_499 = arith.constant 32 : index
        %parallel_loop3A_500 = tpu.vector_load %arg6[%parallel_loop3A_497, %parallel_loop3A_498, %parallel_loop3A_499] {strides = array<i32>} : memref<5x128x64xi32, #tpu.memory_space<vmem>>, vector<16xi32>,
        %parallel_loop3A_501 = arith.constant 65536 : i32
        %parallel_loop3A_502 = vector.broadcast %parallel_loop3A_501 : i32 to vector<16xi32>
        %parallel_loop3A_503 = arith.muli %parallel_loop3A_500, %parallel_loop3A_502 : vector<16xi32>
        %parallel_loop3A_504 = arith.andi %parallel_loop3A_500, %broadcast_in_dim3A_3 : vector<16xi32>
        %parallel_loop3A_505 = vector.bitcast %parallel_loop3A_503 : vector<16xi32> to vector<16xf32>
        %parallel_loop3A_506 = arith.constant 1 : i32
        %parallel_loop3A_507 = arith.index_cast %parallel_loop3A_506 : i32 to index
        %parallel_loop3A_508 = arith.index_cast %parallel_loop3A_453 : i32 to index
        %parallel_loop3A_509 = arith.constant 32 : index
        %parallel_loop3A_510 = tpu.vector_load %arg7[%parallel_loop3A_507, %parallel_loop3A_508, %parallel_loop3A_509] {strides = array<i32>} : memref<5x128x128xf32, #tpu.memory_space<vmem>>, vector<16xf32>,
        tpu.vector_store %arg7[%parallel_loop3A_507, %parallel_loop3A_508, %parallel_loop3A_509], %parallel_loop3A_505 {strides = array<i32>} : memref<5x128x128xf32, #tpu.memory_space<vmem>>, vector<16xf32>,
        %parallel_loop3A_511 = vector.bitcast %parallel_loop3A_504 : vector<16xi32> to vector<16xf32>
        %parallel_loop3A_512 = arith.constant 1 : i32
        %parallel_loop3A_513 = arith.index_cast %parallel_loop3A_512 : i32 to index
        %parallel_loop3A_514 = arith.index_cast %parallel_loop3A_453 : i32 to index
        %parallel_loop3A_515 = arith.constant 96 : index
        %parallel_loop3A_516 = tpu.vector_load %arg7[%parallel_loop3A_513, %parallel_loop3A_514, %parallel_loop3A_515] {strides = array<i32>} : memref<5x128x128xf32, #tpu.memory_space<vmem>>, vector<16xf32>,
        tpu.vector_store %arg7[%parallel_loop3A_513, %parallel_loop3A_514, %parallel_loop3A_515], %parallel_loop3A_511 {strides = array<i32>} : memref<5x128x128xf32, #tpu.memory_space<vmem>>, vector<16xf32>,
        %parallel_loop3A_517 = arith.constant 1 : i32
        %parallel_loop3A_518 = arith.index_cast %parallel_loop3A_517 : i32 to index
        %parallel_loop3A_519 = arith.index_cast %parallel_loop3A_453 : i32 to index
        %parallel_loop3A_520 = arith.constant 48 : index
        %parallel_loop3A_521 = tpu.vector_load %arg6[%parallel_loop3A_518, %parallel_loop3A_519, %parallel_loop3A_520] {strides = array<i32>} : memref<5x128x64xi32, #tpu.memory_space<vmem>>, vector<16xi32>,
        %parallel_loop3A_522 = arith.constant 65536 : i32
        %parallel_loop3A_523 = vector.broadcast %parallel_loop3A_522 : i32 to vector<16xi32>
        %parallel_loop3A_524 = arith.muli %parallel_loop3A_521, %parallel_loop3A_523 : vector<16xi32>
        %parallel_loop3A_525 = arith.andi %parallel_loop3A_521, %broadcast_in_dim3A_3 : vector<16xi32>
        %parallel_loop3A_526 = vector.bitcast %parallel_loop3A_524 : vector<16xi32> to vector<16xf32>
        %parallel_loop3A_527 = arith.constant 1 : i32
        %parallel_loop3A_528 = arith.index_cast %parallel_loop3A_527 : i32 to index
        %parallel_loop3A_529 = arith.index_cast %parallel_loop3A_453 : i32 to index
        %parallel_loop3A_530 = arith.constant 48 : index
        %parallel_loop3A_531 = tpu.vector_load %arg7[%parallel_loop3A_528, %parallel_loop3A_529, %parallel_loop3A_530] {strides = array<i32>} : memref<5x128x128xf32, #tpu.memory_space<vmem>>, vector<16xf32>,
        tpu.vector_store %arg7[%parallel_loop3A_528, %parallel_loop3A_529, %parallel_loop3A_530], %parallel_loop3A_526 {strides = array<i32>} : memref<5x128x128xf32, #tpu.memory_space<vmem>>, vector<16xf32>,
        %parallel_loop3A_532 = vector.bitcast %parallel_loop3A_525 : vector<16xi32> to vector<16xf32>
        %parallel_loop3A_533 = arith.constant 1 : i32
        %parallel_loop3A_534 = arith.index_cast %parallel_loop3A_533 : i32 to index
        %parallel_loop3A_535 = arith.index_cast %parallel_loop3A_453 : i32 to index
        %parallel_loop3A_536 = arith.constant 112 : index
        %parallel_loop3A_537 = tpu.vector_load %arg7[%parallel_loop3A_534, %parallel_loop3A_535, %parallel_loop3A_536] {strides = array<i32>} : memref<5x128x128xf32, #tpu.memory_space<vmem>>, vector<16xf32>,
        tpu.vector_store %arg7[%parallel_loop3A_534, %parallel_loop3A_535, %parallel_loop3A_536], %parallel_loop3A_532 {strides = array<i32>} : memref<5x128x128xf32, #tpu.memory_space<vmem>>, vector<16xf32>,
      } {sc.loop_unroll_factor = 2 : i64, sc.parallel_access}
      %add3A_328 = arith.constant 128 : i32
      %add3A_329 = arith.addi %add3A_142, %add3A_328 : i32
      %dma_start3A_330 = arith.constant 1 : i32
      %dma_start3A_331 = arith.constant 0 : i32
      %dma_start3A_332 = arith.constant 0 : i32
      %dma_start3A_333 = tpu.memref_slice %arg7[%dma_start3A_330, %dma_start3A_331, %dma_start3A_332] : memref<5x128x128xf32, #tpu.memory_space<vmem>> -> memref<1x128x128xf32, #tpu.memory_space<vmem>>
      %dma_start3A_334 = tpu.memref_squeeze %dma_start3A_333 : memref<1x128x128xf32, #tpu.memory_space<vmem>> -> memref<128x128xf32, #tpu.memory_space<vmem>>
      %dma_start3A_335 = arith.constant 0 : i32
      %dma_start3A_336 = tpu.memref_slice %arg4[%add3A_329, %dma_start3A_335] : memref<819200x128xf32, #tpu.memory_space<hbm>> -> memref<128x128xf32, #tpu.memory_space<hbm>>
      %dma_start3A_337 = arith.constant 0 : i32
      %dma_start3A_338 = tpu.memref_slice %arg4[%add3A_329, %dma_start3A_337] : memref<819200x128xf32, #tpu.memory_space<hbm>> -> memref<128x128xf32, #tpu.memory_space<hbm>>
      %dma_start3A_339 = arith.constant 0 : i32
      %dma_start3A_340 = arith.constant 0 : i32
      %dma_start3A_341 = tpu.memref_slice %arg7[%dma_start3A_330, %dma_start3A_339, %dma_start3A_340] : memref<5x128x128xf32, #tpu.memory_space<vmem>> -> memref<1x128x128xf32, #tpu.memory_space<vmem>>
      %dma_start3A_342 = tpu.memref_squeeze %dma_start3A_341 : memref<1x128x128xf32, #tpu.memory_space<vmem>> -> memref<128x128xf32, #tpu.memory_space<vmem>>
      tpu.enqueue_dma source(%dma_start3A_342 : memref<128x128xf32, #tpu.memory_space<vmem>>) target(%dma_start3A_338 : memref<128x128xf32, #tpu.memory_space<hbm>>) target_semaphore(%arg19 : memref<!tpu.dma_semaphore, #tpu.memory_space<semaphore_mem>>)
      %lt3A_343 = arith.constant 39 : i32
      %lt3A_344 = arith.cmpi slt, %scan3A_139, %lt3A_343 : i32
      %convert_element_type3A_345 = arith.extui %lt3A_344 : i1 to i32
      %cond3A_346 = arith.constant 0 : i32
      %cond3A_347 = arith.cmpi ne, %convert_element_type3A_345, %cond3A_346 : i32
      scf.if %cond3A_347 {
        %add3A_453 = arith.constant 640 : i32
        %add3A_454 = arith.addi %add3A_142, %add3A_453 : i32
        %add3A_455 = arith.constant 128 : i32
        %add3A_456 = arith.addi %add3A_454, %add3A_455 : i32
        %dma_start3A_457 = arith.constant 1 : i32
        %dma_start3A_458 = arith.constant 0 : i32
        %dma_start3A_459 = tpu.memref_slice %arg5[%dma_start3A_457, %dma_start3A_458] : memref<5x128xi32, #tpu.memory_space<vmem>> -> memref<1x128xi32, #tpu.memory_space<vmem>>
        %dma_start3A_460 = tpu.memref_squeeze %dma_start3A_459 : memref<1x128xi32, #tpu.memory_space<vmem>> -> memref<128xi32, #tpu.memory_space<vmem>>
        %dma_start3A_461 = tpu.memref_slice %arg3[%add3A_456] : memref<819200xi32, #tpu.memory_space<hbm>> -> memref<128xi32, #tpu.memory_space<hbm>>
        %dma_start3A_462 = arith.constant 0 : i32
        %dma_start3A_463 = tpu.memref_slice %arg5[%dma_start3A_457, %dma_start3A_462] : memref<5x128xi32, #tpu.memory_space<vmem>> -> memref<1x128xi32, #tpu.memory_space<vmem>>
        %dma_start3A_464 = tpu.memref_squeeze %dma_start3A_463 : memref<1x128xi32, #tpu.memory_space<vmem>> -> memref<128xi32, #tpu.memory_space<vmem>>
        %dma_start3A_465 = tpu.memref_slice %arg3[%add3A_456] : memref<819200xi32, #tpu.memory_space<hbm>> -> memref<128xi32, #tpu.memory_space<hbm>>
        tpu.enqueue_dma source(%dma_start3A_465 : memref<128xi32, #tpu.memory_space<hbm>>) target(%dma_start3A_464 : memref<128xi32, #tpu.memory_space<vmem>>) target_semaphore(%arg9 : memref<!tpu.dma_semaphore, #tpu.memory_space<semaphore_mem>>)
      } else {
      }
      %dma_wait3A_348 = arith.constant 2 : i32
      %dma_wait3A_349 = arith.constant 2 : i32
      %dma_wait3A_350 = arith.constant 0 : i32
      %dma_wait3A_351 = arith.constant 0 : i32
      %dma_wait3A_352 = tpu.memref_slice %arg6[%dma_wait3A_349, %dma_wait3A_350, %dma_wait3A_351] : memref<5x128x64xi32, #tpu.memory_space<vmem>> -> memref<1x128x64xi32, #tpu.memory_space<vmem>>
      %dma_wait3A_353 = tpu.memref_squeeze %dma_wait3A_352 : memref<1x128x64xi32, #tpu.memory_space<vmem>> -> memref<128x64xi32, #tpu.memory_space<vmem>>
      %dma_wait3A_354 = arith.constant 0 : i32
      %dma_wait3A_355 = tpu.memref_slice %arg5[%dma_wait3A_348, %dma_wait3A_354] : memref<5x128xi32, #tpu.memory_space<vmem>> -> memref<1x128xi32, #tpu.memory_space<vmem>>
      %dma_wait3A_356 = tpu.memref_squeeze %dma_wait3A_355 : memref<1x128xi32, #tpu.memory_space<vmem>> -> memref<128xi32, #tpu.memory_space<vmem>>
      %dma_wait3A_357 = arith.constant 0 : i32
      %dma_wait3A_358 = arith.constant 0 : i32
      %dma_wait3A_359 = tpu.memref_slice %arg2[%dma_wait3A_357, %dma_wait3A_358] : memref<100000x64xi32, #tpu.memory_space<hbm>> -> memref<100000x64xi32, #tpu.memory_space<hbm>>
      tpu.wait_indirect_dma semaphore(%arg15 : memref<!tpu.dma_semaphore, #tpu.memory_space<semaphore_mem>>) src(%dma_wait3A_359 : memref<100000x64xi32, #tpu.memory_space<hbm>>) dst(%dma_wait3A_353 : memref<128x64xi32, #tpu.memory_space<vmem>>)
      %parallel_loop3A_360 = arith.constant 0 : i32
      %parallel_loop3A_361 = arith.constant 128 : i32
      %parallel_loop3A_362 = arith.constant 1 : i32
      scf.for %parallel_loop3A_453 = %parallel_loop3A_360 to %parallel_loop3A_361 step %parallel_loop3A_362  : i32 {
        %parallel_loop3A_454 = arith.constant 2 : i32
        %parallel_loop3A_455 = arith.index_cast %parallel_loop3A_454 : i32 to index
        %parallel_loop3A_456 = arith.index_cast %parallel_loop3A_453 : i32 to index
        %parallel_loop3A_457 = arith.constant 0 : index
        %parallel_loop3A_458 = tpu.vector_load %arg6[%parallel_loop3A_455, %parallel_loop3A_456, %parallel_loop3A_457] {strides = array<i32>} : memref<5x128x64xi32, #tpu.memory_space<vmem>>, vector<16xi32>,
        %parallel_loop3A_459 = arith.constant 65536 : i32
        %parallel_loop3A_460 = vector.broadcast %parallel_loop3A_459 : i32 to vector<16xi32>
        %parallel_loop3A_461 = arith.muli %parallel_loop3A_458, %parallel_loop3A_460 : vector<16xi32>
        %parallel_loop3A_462 = arith.andi %parallel_loop3A_458, %broadcast_in_dim3A_3 : vector<16xi32>
        %parallel_loop3A_463 = vector.bitcast %parallel_loop3A_461 : vector<16xi32> to vector<16xf32>
        %parallel_loop3A_464 = arith.constant 2 : i32
        %parallel_loop3A_465 = arith.index_cast %parallel_loop3A_464 : i32 to index
        %parallel_loop3A_466 = arith.index_cast %parallel_loop3A_453 : i32 to index
        %parallel_loop3A_467 = arith.constant 0 : index
        %parallel_loop3A_468 = tpu.vector_load %arg7[%parallel_loop3A_465, %parallel_loop3A_466, %parallel_loop3A_467] {strides = array<i32>} : memref<5x128x128xf32, #tpu.memory_space<vmem>>, vector<16xf32>,
        tpu.vector_store %arg7[%parallel_loop3A_465, %parallel_loop3A_466, %parallel_loop3A_467], %parallel_loop3A_463 {strides = array<i32>} : memref<5x128x128xf32, #tpu.memory_space<vmem>>, vector<16xf32>,
        %parallel_loop3A_469 = vector.bitcast %parallel_loop3A_462 : vector<16xi32> to vector<16xf32>
        %parallel_loop3A_470 = arith.constant 2 : i32
        %parallel_loop3A_471 = arith.index_cast %parallel_loop3A_470 : i32 to index
        %parallel_loop3A_472 = arith.index_cast %parallel_loop3A_453 : i32 to index
        %parallel_loop3A_473 = arith.constant 64 : index
        %parallel_loop3A_474 = tpu.vector_load %arg7[%parallel_loop3A_471, %parallel_loop3A_472, %parallel_loop3A_473] {strides = array<i32>} : memref<5x128x128xf32, #tpu.memory_space<vmem>>, vector<16xf32>,
        tpu.vector_store %arg7[%parallel_loop3A_471, %parallel_loop3A_472, %parallel_loop3A_473], %parallel_loop3A_469 {strides = array<i32>} : memref<5x128x128xf32, #tpu.memory_space<vmem>>, vector<16xf32>,
        %parallel_loop3A_475 = arith.constant 2 : i32
        %parallel_loop3A_476 = arith.index_cast %parallel_loop3A_475 : i32 to index
        %parallel_loop3A_477 = arith.index_cast %parallel_loop3A_453 : i32 to index
        %parallel_loop3A_478 = arith.constant 16 : index
        %parallel_loop3A_479 = tpu.vector_load %arg6[%parallel_loop3A_476, %parallel_loop3A_477, %parallel_loop3A_478] {strides = array<i32>} : memref<5x128x64xi32, #tpu.memory_space<vmem>>, vector<16xi32>,
        %parallel_loop3A_480 = arith.constant 65536 : i32
        %parallel_loop3A_481 = vector.broadcast %parallel_loop3A_480 : i32 to vector<16xi32>
        %parallel_loop3A_482 = arith.muli %parallel_loop3A_479, %parallel_loop3A_481 : vector<16xi32>
        %parallel_loop3A_483 = arith.andi %parallel_loop3A_479, %broadcast_in_dim3A_3 : vector<16xi32>
        %parallel_loop3A_484 = vector.bitcast %parallel_loop3A_482 : vector<16xi32> to vector<16xf32>
        %parallel_loop3A_485 = arith.constant 2 : i32
        %parallel_loop3A_486 = arith.index_cast %parallel_loop3A_485 : i32 to index
        %parallel_loop3A_487 = arith.index_cast %parallel_loop3A_453 : i32 to index
        %parallel_loop3A_488 = arith.constant 16 : index
        %parallel_loop3A_489 = tpu.vector_load %arg7[%parallel_loop3A_486, %parallel_loop3A_487, %parallel_loop3A_488] {strides = array<i32>} : memref<5x128x128xf32, #tpu.memory_space<vmem>>, vector<16xf32>,
        tpu.vector_store %arg7[%parallel_loop3A_486, %parallel_loop3A_487, %parallel_loop3A_488], %parallel_loop3A_484 {strides = array<i32>} : memref<5x128x128xf32, #tpu.memory_space<vmem>>, vector<16xf32>,
        %parallel_loop3A_490 = vector.bitcast %parallel_loop3A_483 : vector<16xi32> to vector<16xf32>
        %parallel_loop3A_491 = arith.constant 2 : i32
        %parallel_loop3A_492 = arith.index_cast %parallel_loop3A_491 : i32 to index
        %parallel_loop3A_493 = arith.index_cast %parallel_loop3A_453 : i32 to index
        %parallel_loop3A_494 = arith.constant 80 : index
        %parallel_loop3A_495 = tpu.vector_load %arg7[%parallel_loop3A_492, %parallel_loop3A_493, %parallel_loop3A_494] {strides = array<i32>} : memref<5x128x128xf32, #tpu.memory_space<vmem>>, vector<16xf32>,
        tpu.vector_store %arg7[%parallel_loop3A_492, %parallel_loop3A_493, %parallel_loop3A_494], %parallel_loop3A_490 {strides = array<i32>} : memref<5x128x128xf32, #tpu.memory_space<vmem>>, vector<16xf32>,
        %parallel_loop3A_496 = arith.constant 2 : i32
        %parallel_loop3A_497 = arith.index_cast %parallel_loop3A_496 : i32 to index
        %parallel_loop3A_498 = arith.index_cast %parallel_loop3A_453 : i32 to index
        %parallel_loop3A_499 = arith.constant 32 : index
        %parallel_loop3A_500 = tpu.vector_load %arg6[%parallel_loop3A_497, %parallel_loop3A_498, %parallel_loop3A_499] {strides = array<i32>} : memref<5x128x64xi32, #tpu.memory_space<vmem>>, vector<16xi32>,
        %parallel_loop3A_501 = arith.constant 65536 : i32
        %parallel_loop3A_502 = vector.broadcast %parallel_loop3A_501 : i32 to vector<16xi32>
        %parallel_loop3A_503 = arith.muli %parallel_loop3A_500, %parallel_loop3A_502 : vector<16xi32>
        %parallel_loop3A_504 = arith.andi %parallel_loop3A_500, %broadcast_in_dim3A_3 : vector<16xi32>
        %parallel_loop3A_505 = vector.bitcast %parallel_loop3A_503 : vector<16xi32> to vector<16xf32>
        %parallel_loop3A_506 = arith.constant 2 : i32
        %parallel_loop3A_507 = arith.index_cast %parallel_loop3A_506 : i32 to index
        %parallel_loop3A_508 = arith.index_cast %parallel_loop3A_453 : i32 to index
        %parallel_loop3A_509 = arith.constant 32 : index
        %parallel_loop3A_510 = tpu.vector_load %arg7[%parallel_loop3A_507, %parallel_loop3A_508, %parallel_loop3A_509] {strides = array<i32>} : memref<5x128x128xf32, #tpu.memory_space<vmem>>, vector<16xf32>,
        tpu.vector_store %arg7[%parallel_loop3A_507, %parallel_loop3A_508, %parallel_loop3A_509], %parallel_loop3A_505 {strides = array<i32>} : memref<5x128x128xf32, #tpu.memory_space<vmem>>, vector<16xf32>,
        %parallel_loop3A_511 = vector.bitcast %parallel_loop3A_504 : vector<16xi32> to vector<16xf32>
        %parallel_loop3A_512 = arith.constant 2 : i32
        %parallel_loop3A_513 = arith.index_cast %parallel_loop3A_512 : i32 to index
        %parallel_loop3A_514 = arith.index_cast %parallel_loop3A_453 : i32 to index
        %parallel_loop3A_515 = arith.constant 96 : index
        %parallel_loop3A_516 = tpu.vector_load %arg7[%parallel_loop3A_513, %parallel_loop3A_514, %parallel_loop3A_515] {strides = array<i32>} : memref<5x128x128xf32, #tpu.memory_space<vmem>>, vector<16xf32>,
        tpu.vector_store %arg7[%parallel_loop3A_513, %parallel_loop3A_514, %parallel_loop3A_515], %parallel_loop3A_511 {strides = array<i32>} : memref<5x128x128xf32, #tpu.memory_space<vmem>>, vector<16xf32>,
        %parallel_loop3A_517 = arith.constant 2 : i32
        %parallel_loop3A_518 = arith.index_cast %parallel_loop3A_517 : i32 to index
        %parallel_loop3A_519 = arith.index_cast %parallel_loop3A_453 : i32 to index
        %parallel_loop3A_520 = arith.constant 48 : index
        %parallel_loop3A_521 = tpu.vector_load %arg6[%parallel_loop3A_518, %parallel_loop3A_519, %parallel_loop3A_520] {strides = array<i32>} : memref<5x128x64xi32, #tpu.memory_space<vmem>>, vector<16xi32>,
        %parallel_loop3A_522 = arith.constant 65536 : i32
        %parallel_loop3A_523 = vector.broadcast %parallel_loop3A_522 : i32 to vector<16xi32>
        %parallel_loop3A_524 = arith.muli %parallel_loop3A_521, %parallel_loop3A_523 : vector<16xi32>
        %parallel_loop3A_525 = arith.andi %parallel_loop3A_521, %broadcast_in_dim3A_3 : vector<16xi32>
        %parallel_loop3A_526 = vector.bitcast %parallel_loop3A_524 : vector<16xi32> to vector<16xf32>
        %parallel_loop3A_527 = arith.constant 2 : i32
        %parallel_loop3A_528 = arith.index_cast %parallel_loop3A_527 : i32 to index
        %parallel_loop3A_529 = arith.index_cast %parallel_loop3A_453 : i32 to index
        %parallel_loop3A_530 = arith.constant 48 : index
        %parallel_loop3A_531 = tpu.vector_load %arg7[%parallel_loop3A_528, %parallel_loop3A_529, %parallel_loop3A_530] {strides = array<i32>} : memref<5x128x128xf32, #tpu.memory_space<vmem>>, vector<16xf32>,
        tpu.vector_store %arg7[%parallel_loop3A_528, %parallel_loop3A_529, %parallel_loop3A_530], %parallel_loop3A_526 {strides = array<i32>} : memref<5x128x128xf32, #tpu.memory_space<vmem>>, vector<16xf32>,
        %parallel_loop3A_532 = vector.bitcast %parallel_loop3A_525 : vector<16xi32> to vector<16xf32>
        %parallel_loop3A_533 = arith.constant 2 : i32
        %parallel_loop3A_534 = arith.index_cast %parallel_loop3A_533 : i32 to index
        %parallel_loop3A_535 = arith.index_cast %parallel_loop3A_453 : i32 to index
        %parallel_loop3A_536 = arith.constant 112 : index
        %parallel_loop3A_537 = tpu.vector_load %arg7[%parallel_loop3A_534, %parallel_loop3A_535, %parallel_loop3A_536] {strides = array<i32>} : memref<5x128x128xf32, #tpu.memory_space<vmem>>, vector<16xf32>,
        tpu.vector_store %arg7[%parallel_loop3A_534, %parallel_loop3A_535, %parallel_loop3A_536], %parallel_loop3A_532 {strides = array<i32>} : memref<5x128x128xf32, #tpu.memory_space<vmem>>, vector<16xf32>,
      } {sc.loop_unroll_factor = 2 : i64, sc.parallel_access}
      %add3A_363 = arith.constant 256 : i32
      %add3A_364 = arith.addi %add3A_142, %add3A_363 : i32
      %dma_start3A_365 = arith.constant 2 : i32
      %dma_start3A_366 = arith.constant 0 : i32
      %dma_start3A_367 = arith.constant 0 : i32
      %dma_start3A_368 = tpu.memref_slice %arg7[%dma_start3A_365, %dma_start3A_366, %dma_start3A_367] : memref<5x128x128xf32, #tpu.memory_space<vmem>> -> memref<1x128x128xf32, #tpu.memory_space<vmem>>
      %dma_start3A_369 = tpu.memref_squeeze %dma_start3A_368 : memref<1x128x128xf32, #tpu.memory_space<vmem>> -> memref<128x128xf32, #tpu.memory_space<vmem>>
      %dma_start3A_370 = arith.constant 0 : i32
      %dma_start3A_371 = tpu.memref_slice %arg4[%add3A_364, %dma_start3A_370] : memref<819200x128xf32, #tpu.memory_space<hbm>> -> memref<128x128xf32, #tpu.memory_space<hbm>>
      %dma_start3A_372 = arith.constant 0 : i32
      %dma_start3A_373 = tpu.memref_slice %arg4[%add3A_364, %dma_start3A_372] : memref<819200x128xf32, #tpu.memory_space<hbm>> -> memref<128x128xf32, #tpu.memory_space<hbm>>
      %dma_start3A_374 = arith.constant 0 : i32
      %dma_start3A_375 = arith.constant 0 : i32
      %dma_start3A_376 = tpu.memref_slice %arg7[%dma_start3A_365, %dma_start3A_374, %dma_start3A_375] : memref<5x128x128xf32, #tpu.memory_space<vmem>> -> memref<1x128x128xf32, #tpu.memory_space<vmem>>
      %dma_start3A_377 = tpu.memref_squeeze %dma_start3A_376 : memref<1x128x128xf32, #tpu.memory_space<vmem>> -> memref<128x128xf32, #tpu.memory_space<vmem>>
      tpu.enqueue_dma source(%dma_start3A_377 : memref<128x128xf32, #tpu.memory_space<vmem>>) target(%dma_start3A_373 : memref<128x128xf32, #tpu.memory_space<hbm>>) target_semaphore(%arg20 : memref<!tpu.dma_semaphore, #tpu.memory_space<semaphore_mem>>)
      %lt3A_378 = arith.constant 39 : i32
      %lt3A_379 = arith.cmpi slt, %scan3A_139, %lt3A_378 : i32
      %convert_element_type3A_380 = arith.extui %lt3A_379 : i1 to i32
      %cond3A_381 = arith.constant 0 : i32
      %cond3A_382 = arith.cmpi ne, %convert_element_type3A_380, %cond3A_381 : i32
      scf.if %cond3A_382 {
        %add3A_453 = arith.constant 640 : i32
        %add3A_454 = arith.addi %add3A_142, %add3A_453 : i32
        %add3A_455 = arith.constant 256 : i32
        %add3A_456 = arith.addi %add3A_454, %add3A_455 : i32
        %dma_start3A_457 = arith.constant 2 : i32
        %dma_start3A_458 = arith.constant 0 : i32
        %dma_start3A_459 = tpu.memref_slice %arg5[%dma_start3A_457, %dma_start3A_458] : memref<5x128xi32, #tpu.memory_space<vmem>> -> memref<1x128xi32, #tpu.memory_space<vmem>>
        %dma_start3A_460 = tpu.memref_squeeze %dma_start3A_459 : memref<1x128xi32, #tpu.memory_space<vmem>> -> memref<128xi32, #tpu.memory_space<vmem>>
        %dma_start3A_461 = tpu.memref_slice %arg3[%add3A_456] : memref<819200xi32, #tpu.memory_space<hbm>> -> memref<128xi32, #tpu.memory_space<hbm>>
        %dma_start3A_462 = arith.constant 0 : i32
        %dma_start3A_463 = tpu.memref_slice %arg5[%dma_start3A_457, %dma_start3A_462] : memref<5x128xi32, #tpu.memory_space<vmem>> -> memref<1x128xi32, #tpu.memory_space<vmem>>
        %dma_start3A_464 = tpu.memref_squeeze %dma_start3A_463 : memref<1x128xi32, #tpu.memory_space<vmem>> -> memref<128xi32, #tpu.memory_space<vmem>>
        %dma_start3A_465 = tpu.memref_slice %arg3[%add3A_456] : memref<819200xi32, #tpu.memory_space<hbm>> -> memref<128xi32, #tpu.memory_space<hbm>>
        tpu.enqueue_dma source(%dma_start3A_465 : memref<128xi32, #tpu.memory_space<hbm>>) target(%dma_start3A_464 : memref<128xi32, #tpu.memory_space<vmem>>) target_semaphore(%arg10 : memref<!tpu.dma_semaphore, #tpu.memory_space<semaphore_mem>>)
      } else {
      }
      %dma_wait3A_383 = arith.constant 3 : i32
      %dma_wait3A_384 = arith.constant 3 : i32
      %dma_wait3A_385 = arith.constant 0 : i32
      %dma_wait3A_386 = arith.constant 0 : i32
      %dma_wait3A_387 = tpu.memref_slice %arg6[%dma_wait3A_384, %dma_wait3A_385, %dma_wait3A_386] : memref<5x128x64xi32, #tpu.memory_space<vmem>> -> memref<1x128x64xi32, #tpu.memory_space<vmem>>
      %dma_wait3A_388 = tpu.memref_squeeze %dma_wait3A_387 : memref<1x128x64xi32, #tpu.memory_space<vmem>> -> memref<128x64xi32, #tpu.memory_space<vmem>>
      %dma_wait3A_389 = arith.constant 0 : i32
      %dma_wait3A_390 = tpu.memref_slice %arg5[%dma_wait3A_383, %dma_wait3A_389] : memref<5x128xi32, #tpu.memory_space<vmem>> -> memref<1x128xi32, #tpu.memory_space<vmem>>
      %dma_wait3A_391 = tpu.memref_squeeze %dma_wait3A_390 : memref<1x128xi32, #tpu.memory_space<vmem>> -> memref<128xi32, #tpu.memory_space<vmem>>
      %dma_wait3A_392 = arith.constant 0 : i32
      %dma_wait3A_393 = arith.constant 0 : i32
      %dma_wait3A_394 = tpu.memref_slice %arg2[%dma_wait3A_392, %dma_wait3A_393] : memref<100000x64xi32, #tpu.memory_space<hbm>> -> memref<100000x64xi32, #tpu.memory_space<hbm>>
      tpu.wait_indirect_dma semaphore(%arg16 : memref<!tpu.dma_semaphore, #tpu.memory_space<semaphore_mem>>) src(%dma_wait3A_394 : memref<100000x64xi32, #tpu.memory_space<hbm>>) dst(%dma_wait3A_388 : memref<128x64xi32, #tpu.memory_space<vmem>>)
      %parallel_loop3A_395 = arith.constant 0 : i32
      %parallel_loop3A_396 = arith.constant 128 : i32
      %parallel_loop3A_397 = arith.constant 1 : i32
      scf.for %parallel_loop3A_453 = %parallel_loop3A_395 to %parallel_loop3A_396 step %parallel_loop3A_397  : i32 {
        %parallel_loop3A_454 = arith.constant 3 : i32
        %parallel_loop3A_455 = arith.index_cast %parallel_loop3A_454 : i32 to index
        %parallel_loop3A_456 = arith.index_cast %parallel_loop3A_453 : i32 to index
        %parallel_loop3A_457 = arith.constant 0 : index
        %parallel_loop3A_458 = tpu.vector_load %arg6[%parallel_loop3A_455, %parallel_loop3A_456, %parallel_loop3A_457] {strides = array<i32>} : memref<5x128x64xi32, #tpu.memory_space<vmem>>, vector<16xi32>,
        %parallel_loop3A_459 = arith.constant 65536 : i32
        %parallel_loop3A_460 = vector.broadcast %parallel_loop3A_459 : i32 to vector<16xi32>
        %parallel_loop3A_461 = arith.muli %parallel_loop3A_458, %parallel_loop3A_460 : vector<16xi32>
        %parallel_loop3A_462 = arith.andi %parallel_loop3A_458, %broadcast_in_dim3A_3 : vector<16xi32>
        %parallel_loop3A_463 = vector.bitcast %parallel_loop3A_461 : vector<16xi32> to vector<16xf32>
        %parallel_loop3A_464 = arith.constant 3 : i32
        %parallel_loop3A_465 = arith.index_cast %parallel_loop3A_464 : i32 to index
        %parallel_loop3A_466 = arith.index_cast %parallel_loop3A_453 : i32 to index
        %parallel_loop3A_467 = arith.constant 0 : index
        %parallel_loop3A_468 = tpu.vector_load %arg7[%parallel_loop3A_465, %parallel_loop3A_466, %parallel_loop3A_467] {strides = array<i32>} : memref<5x128x128xf32, #tpu.memory_space<vmem>>, vector<16xf32>,
        tpu.vector_store %arg7[%parallel_loop3A_465, %parallel_loop3A_466, %parallel_loop3A_467], %parallel_loop3A_463 {strides = array<i32>} : memref<5x128x128xf32, #tpu.memory_space<vmem>>, vector<16xf32>,
        %parallel_loop3A_469 = vector.bitcast %parallel_loop3A_462 : vector<16xi32> to vector<16xf32>
        %parallel_loop3A_470 = arith.constant 3 : i32
        %parallel_loop3A_471 = arith.index_cast %parallel_loop3A_470 : i32 to index
        %parallel_loop3A_472 = arith.index_cast %parallel_loop3A_453 : i32 to index
        %parallel_loop3A_473 = arith.constant 64 : index
        %parallel_loop3A_474 = tpu.vector_load %arg7[%parallel_loop3A_471, %parallel_loop3A_472, %parallel_loop3A_473] {strides = array<i32>} : memref<5x128x128xf32, #tpu.memory_space<vmem>>, vector<16xf32>,
        tpu.vector_store %arg7[%parallel_loop3A_471, %parallel_loop3A_472, %parallel_loop3A_473], %parallel_loop3A_469 {strides = array<i32>} : memref<5x128x128xf32, #tpu.memory_space<vmem>>, vector<16xf32>,
        %parallel_loop3A_475 = arith.constant 3 : i32
        %parallel_loop3A_476 = arith.index_cast %parallel_loop3A_475 : i32 to index
        %parallel_loop3A_477 = arith.index_cast %parallel_loop3A_453 : i32 to index
        %parallel_loop3A_478 = arith.constant 16 : index
        %parallel_loop3A_479 = tpu.vector_load %arg6[%parallel_loop3A_476, %parallel_loop3A_477, %parallel_loop3A_478] {strides = array<i32>} : memref<5x128x64xi32, #tpu.memory_space<vmem>>, vector<16xi32>,
        %parallel_loop3A_480 = arith.constant 65536 : i32
        %parallel_loop3A_481 = vector.broadcast %parallel_loop3A_480 : i32 to vector<16xi32>
        %parallel_loop3A_482 = arith.muli %parallel_loop3A_479, %parallel_loop3A_481 : vector<16xi32>
        %parallel_loop3A_483 = arith.andi %parallel_loop3A_479, %broadcast_in_dim3A_3 : vector<16xi32>
        %parallel_loop3A_484 = vector.bitcast %parallel_loop3A_482 : vector<16xi32> to vector<16xf32>
        %parallel_loop3A_485 = arith.constant 3 : i32
        %parallel_loop3A_486 = arith.index_cast %parallel_loop3A_485 : i32 to index
        %parallel_loop3A_487 = arith.index_cast %parallel_loop3A_453 : i32 to index
        %parallel_loop3A_488 = arith.constant 16 : index
        %parallel_loop3A_489 = tpu.vector_load %arg7[%parallel_loop3A_486, %parallel_loop3A_487, %parallel_loop3A_488] {strides = array<i32>} : memref<5x128x128xf32, #tpu.memory_space<vmem>>, vector<16xf32>,
        tpu.vector_store %arg7[%parallel_loop3A_486, %parallel_loop3A_487, %parallel_loop3A_488], %parallel_loop3A_484 {strides = array<i32>} : memref<5x128x128xf32, #tpu.memory_space<vmem>>, vector<16xf32>,
        %parallel_loop3A_490 = vector.bitcast %parallel_loop3A_483 : vector<16xi32> to vector<16xf32>
        %parallel_loop3A_491 = arith.constant 3 : i32
        %parallel_loop3A_492 = arith.index_cast %parallel_loop3A_491 : i32 to index
        %parallel_loop3A_493 = arith.index_cast %parallel_loop3A_453 : i32 to index
        %parallel_loop3A_494 = arith.constant 80 : index
        %parallel_loop3A_495 = tpu.vector_load %arg7[%parallel_loop3A_492, %parallel_loop3A_493, %parallel_loop3A_494] {strides = array<i32>} : memref<5x128x128xf32, #tpu.memory_space<vmem>>, vector<16xf32>,
        tpu.vector_store %arg7[%parallel_loop3A_492, %parallel_loop3A_493, %parallel_loop3A_494], %parallel_loop3A_490 {strides = array<i32>} : memref<5x128x128xf32, #tpu.memory_space<vmem>>, vector<16xf32>,
        %parallel_loop3A_496 = arith.constant 3 : i32
        %parallel_loop3A_497 = arith.index_cast %parallel_loop3A_496 : i32 to index
        %parallel_loop3A_498 = arith.index_cast %parallel_loop3A_453 : i32 to index
        %parallel_loop3A_499 = arith.constant 32 : index
        %parallel_loop3A_500 = tpu.vector_load %arg6[%parallel_loop3A_497, %parallel_loop3A_498, %parallel_loop3A_499] {strides = array<i32>} : memref<5x128x64xi32, #tpu.memory_space<vmem>>, vector<16xi32>,
        %parallel_loop3A_501 = arith.constant 65536 : i32
        %parallel_loop3A_502 = vector.broadcast %parallel_loop3A_501 : i32 to vector<16xi32>
        %parallel_loop3A_503 = arith.muli %parallel_loop3A_500, %parallel_loop3A_502 : vector<16xi32>
        %parallel_loop3A_504 = arith.andi %parallel_loop3A_500, %broadcast_in_dim3A_3 : vector<16xi32>
        %parallel_loop3A_505 = vector.bitcast %parallel_loop3A_503 : vector<16xi32> to vector<16xf32>
        %parallel_loop3A_506 = arith.constant 3 : i32
        %parallel_loop3A_507 = arith.index_cast %parallel_loop3A_506 : i32 to index
        %parallel_loop3A_508 = arith.index_cast %parallel_loop3A_453 : i32 to index
        %parallel_loop3A_509 = arith.constant 32 : index
        %parallel_loop3A_510 = tpu.vector_load %arg7[%parallel_loop3A_507, %parallel_loop3A_508, %parallel_loop3A_509] {strides = array<i32>} : memref<5x128x128xf32, #tpu.memory_space<vmem>>, vector<16xf32>,
        tpu.vector_store %arg7[%parallel_loop3A_507, %parallel_loop3A_508, %parallel_loop3A_509], %parallel_loop3A_505 {strides = array<i32>} : memref<5x128x128xf32, #tpu.memory_space<vmem>>, vector<16xf32>,
        %parallel_loop3A_511 = vector.bitcast %parallel_loop3A_504 : vector<16xi32> to vector<16xf32>
        %parallel_loop3A_512 = arith.constant 3 : i32
        %parallel_loop3A_513 = arith.index_cast %parallel_loop3A_512 : i32 to index
        %parallel_loop3A_514 = arith.index_cast %parallel_loop3A_453 : i32 to index
        %parallel_loop3A_515 = arith.constant 96 : index
        %parallel_loop3A_516 = tpu.vector_load %arg7[%parallel_loop3A_513, %parallel_loop3A_514, %parallel_loop3A_515] {strides = array<i32>} : memref<5x128x128xf32, #tpu.memory_space<vmem>>, vector<16xf32>,
        tpu.vector_store %arg7[%parallel_loop3A_513, %parallel_loop3A_514, %parallel_loop3A_515], %parallel_loop3A_511 {strides = array<i32>} : memref<5x128x128xf32, #tpu.memory_space<vmem>>, vector<16xf32>,
        %parallel_loop3A_517 = arith.constant 3 : i32
        %parallel_loop3A_518 = arith.index_cast %parallel_loop3A_517 : i32 to index
        %parallel_loop3A_519 = arith.index_cast %parallel_loop3A_453 : i32 to index
        %parallel_loop3A_520 = arith.constant 48 : index
        %parallel_loop3A_521 = tpu.vector_load %arg6[%parallel_loop3A_518, %parallel_loop3A_519, %parallel_loop3A_520] {strides = array<i32>} : memref<5x128x64xi32, #tpu.memory_space<vmem>>, vector<16xi32>,
        %parallel_loop3A_522 = arith.constant 65536 : i32
        %parallel_loop3A_523 = vector.broadcast %parallel_loop3A_522 : i32 to vector<16xi32>
        %parallel_loop3A_524 = arith.muli %parallel_loop3A_521, %parallel_loop3A_523 : vector<16xi32>
        %parallel_loop3A_525 = arith.andi %parallel_loop3A_521, %broadcast_in_dim3A_3 : vector<16xi32>
        %parallel_loop3A_526 = vector.bitcast %parallel_loop3A_524 : vector<16xi32> to vector<16xf32>
        %parallel_loop3A_527 = arith.constant 3 : i32
        %parallel_loop3A_528 = arith.index_cast %parallel_loop3A_527 : i32 to index
        %parallel_loop3A_529 = arith.index_cast %parallel_loop3A_453 : i32 to index
        %parallel_loop3A_530 = arith.constant 48 : index
        %parallel_loop3A_531 = tpu.vector_load %arg7[%parallel_loop3A_528, %parallel_loop3A_529, %parallel_loop3A_530] {strides = array<i32>} : memref<5x128x128xf32, #tpu.memory_space<vmem>>, vector<16xf32>,
        tpu.vector_store %arg7[%parallel_loop3A_528, %parallel_loop3A_529, %parallel_loop3A_530], %parallel_loop3A_526 {strides = array<i32>} : memref<5x128x128xf32, #tpu.memory_space<vmem>>, vector<16xf32>,
        %parallel_loop3A_532 = vector.bitcast %parallel_loop3A_525 : vector<16xi32> to vector<16xf32>
        %parallel_loop3A_533 = arith.constant 3 : i32
        %parallel_loop3A_534 = arith.index_cast %parallel_loop3A_533 : i32 to index
        %parallel_loop3A_535 = arith.index_cast %parallel_loop3A_453 : i32 to index
        %parallel_loop3A_536 = arith.constant 112 : index
        %parallel_loop3A_537 = tpu.vector_load %arg7[%parallel_loop3A_534, %parallel_loop3A_535, %parallel_loop3A_536] {strides = array<i32>} : memref<5x128x128xf32, #tpu.memory_space<vmem>>, vector<16xf32>,
        tpu.vector_store %arg7[%parallel_loop3A_534, %parallel_loop3A_535, %parallel_loop3A_536], %parallel_loop3A_532 {strides = array<i32>} : memref<5x128x128xf32, #tpu.memory_space<vmem>>, vector<16xf32>,
      } {sc.loop_unroll_factor = 2 : i64, sc.parallel_access}
      %add3A_398 = arith.constant 384 : i32
      %add3A_399 = arith.addi %add3A_142, %add3A_398 : i32
      %dma_start3A_400 = arith.constant 3 : i32
      %dma_start3A_401 = arith.constant 0 : i32
      %dma_start3A_402 = arith.constant 0 : i32
      %dma_start3A_403 = tpu.memref_slice %arg7[%dma_start3A_400, %dma_start3A_401, %dma_start3A_402] : memref<5x128x128xf32, #tpu.memory_space<vmem>> -> memref<1x128x128xf32, #tpu.memory_space<vmem>>
      %dma_start3A_404 = tpu.memref_squeeze %dma_start3A_403 : memref<1x128x128xf32, #tpu.memory_space<vmem>> -> memref<128x128xf32, #tpu.memory_space<vmem>>
      %dma_start3A_405 = arith.constant 0 : i32
      %dma_start3A_406 = tpu.memref_slice %arg4[%add3A_399, %dma_start3A_405] : memref<819200x128xf32, #tpu.memory_space<hbm>> -> memref<128x128xf32, #tpu.memory_space<hbm>>
      %dma_start3A_407 = arith.constant 0 : i32
      %dma_start3A_408 = tpu.memref_slice %arg4[%add3A_399, %dma_start3A_407] : memref<819200x128xf32, #tpu.memory_space<hbm>> -> memref<128x128xf32, #tpu.memory_space<hbm>>
      %dma_start3A_409 = arith.constant 0 : i32
      %dma_start3A_410 = arith.constant 0 : i32
      %dma_start3A_411 = tpu.memref_slice %arg7[%dma_start3A_400, %dma_start3A_409, %dma_start3A_410] : memref<5x128x128xf32, #tpu.memory_space<vmem>> -> memref<1x128x128xf32, #tpu.memory_space<vmem>>
      %dma_start3A_412 = tpu.memref_squeeze %dma_start3A_411 : memref<1x128x128xf32, #tpu.memory_space<vmem>> -> memref<128x128xf32, #tpu.memory_space<vmem>>
      tpu.enqueue_dma source(%dma_start3A_412 : memref<128x128xf32, #tpu.memory_space<vmem>>) target(%dma_start3A_408 : memref<128x128xf32, #tpu.memory_space<hbm>>) target_semaphore(%arg21 : memref<!tpu.dma_semaphore, #tpu.memory_space<semaphore_mem>>)
      %lt3A_413 = arith.constant 39 : i32
      %lt3A_414 = arith.cmpi slt, %scan3A_139, %lt3A_413 : i32
      %convert_element_type3A_415 = arith.extui %lt3A_414 : i1 to i32
      %cond3A_416 = arith.constant 0 : i32
      %cond3A_417 = arith.cmpi ne, %convert_element_type3A_415, %cond3A_416 : i32
      scf.if %cond3A_417 {
        %add3A_453 = arith.constant 640 : i32
        %add3A_454 = arith.addi %add3A_142, %add3A_453 : i32
        %add3A_455 = arith.constant 384 : i32
        %add3A_456 = arith.addi %add3A_454, %add3A_455 : i32
        %dma_start3A_457 = arith.constant 3 : i32
        %dma_start3A_458 = arith.constant 0 : i32
        %dma_start3A_459 = tpu.memref_slice %arg5[%dma_start3A_457, %dma_start3A_458] : memref<5x128xi32, #tpu.memory_space<vmem>> -> memref<1x128xi32, #tpu.memory_space<vmem>>
        %dma_start3A_460 = tpu.memref_squeeze %dma_start3A_459 : memref<1x128xi32, #tpu.memory_space<vmem>> -> memref<128xi32, #tpu.memory_space<vmem>>
        %dma_start3A_461 = tpu.memref_slice %arg3[%add3A_456] : memref<819200xi32, #tpu.memory_space<hbm>> -> memref<128xi32, #tpu.memory_space<hbm>>
        %dma_start3A_462 = arith.constant 0 : i32
        %dma_start3A_463 = tpu.memref_slice %arg5[%dma_start3A_457, %dma_start3A_462] : memref<5x128xi32, #tpu.memory_space<vmem>> -> memref<1x128xi32, #tpu.memory_space<vmem>>
        %dma_start3A_464 = tpu.memref_squeeze %dma_start3A_463 : memref<1x128xi32, #tpu.memory_space<vmem>> -> memref<128xi32, #tpu.memory_space<vmem>>
        %dma_start3A_465 = tpu.memref_slice %arg3[%add3A_456] : memref<819200xi32, #tpu.memory_space<hbm>> -> memref<128xi32, #tpu.memory_space<hbm>>
        tpu.enqueue_dma source(%dma_start3A_465 : memref<128xi32, #tpu.memory_space<hbm>>) target(%dma_start3A_464 : memref<128xi32, #tpu.memory_space<vmem>>) target_semaphore(%arg11 : memref<!tpu.dma_semaphore, #tpu.memory_space<semaphore_mem>>)
      } else {
      }
      %dma_wait3A_418 = arith.constant 4 : i32
      %dma_wait3A_419 = arith.constant 4 : i32
      %dma_wait3A_420 = arith.constant 0 : i32
      %dma_wait3A_421 = arith.constant 0 : i32
      %dma_wait3A_422 = tpu.memref_slice %arg6[%dma_wait3A_419, %dma_wait3A_420, %dma_wait3A_421] : memref<5x128x64xi32, #tpu.memory_space<vmem>> -> memref<1x128x64xi32, #tpu.memory_space<vmem>>
      %dma_wait3A_423 = tpu.memref_squeeze %dma_wait3A_422 : memref<1x128x64xi32, #tpu.memory_space<vmem>> -> memref<128x64xi32, #tpu.memory_space<vmem>>
      %dma_wait3A_424 = arith.constant 0 : i32
      %dma_wait3A_425 = tpu.memref_slice %arg5[%dma_wait3A_418, %dma_wait3A_424] : memref<5x128xi32, #tpu.memory_space<vmem>> -> memref<1x128xi32, #tpu.memory_space<vmem>>
      %dma_wait3A_426 = tpu.memref_squeeze %dma_wait3A_425 : memref<1x128xi32, #tpu.memory_space<vmem>> -> memref<128xi32, #tpu.memory_space<vmem>>
      %dma_wait3A_427 = arith.constant 0 : i32
      %dma_wait3A_428 = arith.constant 0 : i32
      %dma_wait3A_429 = tpu.memref_slice %arg2[%dma_wait3A_427, %dma_wait3A_428] : memref<100000x64xi32, #tpu.memory_space<hbm>> -> memref<100000x64xi32, #tpu.memory_space<hbm>>
      tpu.wait_indirect_dma semaphore(%arg17 : memref<!tpu.dma_semaphore, #tpu.memory_space<semaphore_mem>>) src(%dma_wait3A_429 : memref<100000x64xi32, #tpu.memory_space<hbm>>) dst(%dma_wait3A_423 : memref<128x64xi32, #tpu.memory_space<vmem>>)
      %parallel_loop3A_430 = arith.constant 0 : i32
      %parallel_loop3A_431 = arith.constant 128 : i32
      %parallel_loop3A_432 = arith.constant 1 : i32
      scf.for %parallel_loop3A_453 = %parallel_loop3A_430 to %parallel_loop3A_431 step %parallel_loop3A_432  : i32 {
        %parallel_loop3A_454 = arith.constant 4 : i32
        %parallel_loop3A_455 = arith.index_cast %parallel_loop3A_454 : i32 to index
        %parallel_loop3A_456 = arith.index_cast %parallel_loop3A_453 : i32 to index
        %parallel_loop3A_457 = arith.constant 0 : index
        %parallel_loop3A_458 = tpu.vector_load %arg6[%parallel_loop3A_455, %parallel_loop3A_456, %parallel_loop3A_457] {strides = array<i32>} : memref<5x128x64xi32, #tpu.memory_space<vmem>>, vector<16xi32>,
        %parallel_loop3A_459 = arith.constant 65536 : i32
        %parallel_loop3A_460 = vector.broadcast %parallel_loop3A_459 : i32 to vector<16xi32>
        %parallel_loop3A_461 = arith.muli %parallel_loop3A_458, %parallel_loop3A_460 : vector<16xi32>
        %parallel_loop3A_462 = arith.andi %parallel_loop3A_458, %broadcast_in_dim3A_3 : vector<16xi32>
        %parallel_loop3A_463 = vector.bitcast %parallel_loop3A_461 : vector<16xi32> to vector<16xf32>
        %parallel_loop3A_464 = arith.constant 4 : i32
        %parallel_loop3A_465 = arith.index_cast %parallel_loop3A_464 : i32 to index
        %parallel_loop3A_466 = arith.index_cast %parallel_loop3A_453 : i32 to index
        %parallel_loop3A_467 = arith.constant 0 : index
        %parallel_loop3A_468 = tpu.vector_load %arg7[%parallel_loop3A_465, %parallel_loop3A_466, %parallel_loop3A_467] {strides = array<i32>} : memref<5x128x128xf32, #tpu.memory_space<vmem>>, vector<16xf32>,
        tpu.vector_store %arg7[%parallel_loop3A_465, %parallel_loop3A_466, %parallel_loop3A_467], %parallel_loop3A_463 {strides = array<i32>} : memref<5x128x128xf32, #tpu.memory_space<vmem>>, vector<16xf32>,
        %parallel_loop3A_469 = vector.bitcast %parallel_loop3A_462 : vector<16xi32> to vector<16xf32>
        %parallel_loop3A_470 = arith.constant 4 : i32
        %parallel_loop3A_471 = arith.index_cast %parallel_loop3A_470 : i32 to index
        %parallel_loop3A_472 = arith.index_cast %parallel_loop3A_453 : i32 to index
        %parallel_loop3A_473 = arith.constant 64 : index
        %parallel_loop3A_474 = tpu.vector_load %arg7[%parallel_loop3A_471, %parallel_loop3A_472, %parallel_loop3A_473] {strides = array<i32>} : memref<5x128x128xf32, #tpu.memory_space<vmem>>, vector<16xf32>,
        tpu.vector_store %arg7[%parallel_loop3A_471, %parallel_loop3A_472, %parallel_loop3A_473], %parallel_loop3A_469 {strides = array<i32>} : memref<5x128x128xf32, #tpu.memory_space<vmem>>, vector<16xf32>,
        %parallel_loop3A_475 = arith.constant 4 : i32
        %parallel_loop3A_476 = arith.index_cast %parallel_loop3A_475 : i32 to index
        %parallel_loop3A_477 = arith.index_cast %parallel_loop3A_453 : i32 to index
        %parallel_loop3A_478 = arith.constant 16 : index
        %parallel_loop3A_479 = tpu.vector_load %arg6[%parallel_loop3A_476, %parallel_loop3A_477, %parallel_loop3A_478] {strides = array<i32>} : memref<5x128x64xi32, #tpu.memory_space<vmem>>, vector<16xi32>,
        %parallel_loop3A_480 = arith.constant 65536 : i32
        %parallel_loop3A_481 = vector.broadcast %parallel_loop3A_480 : i32 to vector<16xi32>
        %parallel_loop3A_482 = arith.muli %parallel_loop3A_479, %parallel_loop3A_481 : vector<16xi32>
        %parallel_loop3A_483 = arith.andi %parallel_loop3A_479, %broadcast_in_dim3A_3 : vector<16xi32>
        %parallel_loop3A_484 = vector.bitcast %parallel_loop3A_482 : vector<16xi32> to vector<16xf32>
        %parallel_loop3A_485 = arith.constant 4 : i32
        %parallel_loop3A_486 = arith.index_cast %parallel_loop3A_485 : i32 to index
        %parallel_loop3A_487 = arith.index_cast %parallel_loop3A_453 : i32 to index
        %parallel_loop3A_488 = arith.constant 16 : index
        %parallel_loop3A_489 = tpu.vector_load %arg7[%parallel_loop3A_486, %parallel_loop3A_487, %parallel_loop3A_488] {strides = array<i32>} : memref<5x128x128xf32, #tpu.memory_space<vmem>>, vector<16xf32>,
        tpu.vector_store %arg7[%parallel_loop3A_486, %parallel_loop3A_487, %parallel_loop3A_488], %parallel_loop3A_484 {strides = array<i32>} : memref<5x128x128xf32, #tpu.memory_space<vmem>>, vector<16xf32>,
        %parallel_loop3A_490 = vector.bitcast %parallel_loop3A_483 : vector<16xi32> to vector<16xf32>
        %parallel_loop3A_491 = arith.constant 4 : i32
        %parallel_loop3A_492 = arith.index_cast %parallel_loop3A_491 : i32 to index
        %parallel_loop3A_493 = arith.index_cast %parallel_loop3A_453 : i32 to index
        %parallel_loop3A_494 = arith.constant 80 : index
        %parallel_loop3A_495 = tpu.vector_load %arg7[%parallel_loop3A_492, %parallel_loop3A_493, %parallel_loop3A_494] {strides = array<i32>} : memref<5x128x128xf32, #tpu.memory_space<vmem>>, vector<16xf32>,
        tpu.vector_store %arg7[%parallel_loop3A_492, %parallel_loop3A_493, %parallel_loop3A_494], %parallel_loop3A_490 {strides = array<i32>} : memref<5x128x128xf32, #tpu.memory_space<vmem>>, vector<16xf32>,
        %parallel_loop3A_496 = arith.constant 4 : i32
        %parallel_loop3A_497 = arith.index_cast %parallel_loop3A_496 : i32 to index
        %parallel_loop3A_498 = arith.index_cast %parallel_loop3A_453 : i32 to index
        %parallel_loop3A_499 = arith.constant 32 : index
        %parallel_loop3A_500 = tpu.vector_load %arg6[%parallel_loop3A_497, %parallel_loop3A_498, %parallel_loop3A_499] {strides = array<i32>} : memref<5x128x64xi32, #tpu.memory_space<vmem>>, vector<16xi32>,
        %parallel_loop3A_501 = arith.constant 65536 : i32
        %parallel_loop3A_502 = vector.broadcast %parallel_loop3A_501 : i32 to vector<16xi32>
        %parallel_loop3A_503 = arith.muli %parallel_loop3A_500, %parallel_loop3A_502 : vector<16xi32>
        %parallel_loop3A_504 = arith.andi %parallel_loop3A_500, %broadcast_in_dim3A_3 : vector<16xi32>
        %parallel_loop3A_505 = vector.bitcast %parallel_loop3A_503 : vector<16xi32> to vector<16xf32>
        %parallel_loop3A_506 = arith.constant 4 : i32
        %parallel_loop3A_507 = arith.index_cast %parallel_loop3A_506 : i32 to index
        %parallel_loop3A_508 = arith.index_cast %parallel_loop3A_453 : i32 to index
        %parallel_loop3A_509 = arith.constant 32 : index
        %parallel_loop3A_510 = tpu.vector_load %arg7[%parallel_loop3A_507, %parallel_loop3A_508, %parallel_loop3A_509] {strides = array<i32>} : memref<5x128x128xf32, #tpu.memory_space<vmem>>, vector<16xf32>,
        tpu.vector_store %arg7[%parallel_loop3A_507, %parallel_loop3A_508, %parallel_loop3A_509], %parallel_loop3A_505 {strides = array<i32>} : memref<5x128x128xf32, #tpu.memory_space<vmem>>, vector<16xf32>,
        %parallel_loop3A_511 = vector.bitcast %parallel_loop3A_504 : vector<16xi32> to vector<16xf32>
        %parallel_loop3A_512 = arith.constant 4 : i32
        %parallel_loop3A_513 = arith.index_cast %parallel_loop3A_512 : i32 to index
        %parallel_loop3A_514 = arith.index_cast %parallel_loop3A_453 : i32 to index
        %parallel_loop3A_515 = arith.constant 96 : index
        %parallel_loop3A_516 = tpu.vector_load %arg7[%parallel_loop3A_513, %parallel_loop3A_514, %parallel_loop3A_515] {strides = array<i32>} : memref<5x128x128xf32, #tpu.memory_space<vmem>>, vector<16xf32>,
        tpu.vector_store %arg7[%parallel_loop3A_513, %parallel_loop3A_514, %parallel_loop3A_515], %parallel_loop3A_511 {strides = array<i32>} : memref<5x128x128xf32, #tpu.memory_space<vmem>>, vector<16xf32>,
        %parallel_loop3A_517 = arith.constant 4 : i32
        %parallel_loop3A_518 = arith.index_cast %parallel_loop3A_517 : i32 to index
        %parallel_loop3A_519 = arith.index_cast %parallel_loop3A_453 : i32 to index
        %parallel_loop3A_520 = arith.constant 48 : index
        %parallel_loop3A_521 = tpu.vector_load %arg6[%parallel_loop3A_518, %parallel_loop3A_519, %parallel_loop3A_520] {strides = array<i32>} : memref<5x128x64xi32, #tpu.memory_space<vmem>>, vector<16xi32>,
        %parallel_loop3A_522 = arith.constant 65536 : i32
        %parallel_loop3A_523 = vector.broadcast %parallel_loop3A_522 : i32 to vector<16xi32>
        %parallel_loop3A_524 = arith.muli %parallel_loop3A_521, %parallel_loop3A_523 : vector<16xi32>
        %parallel_loop3A_525 = arith.andi %parallel_loop3A_521, %broadcast_in_dim3A_3 : vector<16xi32>
        %parallel_loop3A_526 = vector.bitcast %parallel_loop3A_524 : vector<16xi32> to vector<16xf32>
        %parallel_loop3A_527 = arith.constant 4 : i32
        %parallel_loop3A_528 = arith.index_cast %parallel_loop3A_527 : i32 to index
        %parallel_loop3A_529 = arith.index_cast %parallel_loop3A_453 : i32 to index
        %parallel_loop3A_530 = arith.constant 48 : index
        %parallel_loop3A_531 = tpu.vector_load %arg7[%parallel_loop3A_528, %parallel_loop3A_529, %parallel_loop3A_530] {strides = array<i32>} : memref<5x128x128xf32, #tpu.memory_space<vmem>>, vector<16xf32>,
        tpu.vector_store %arg7[%parallel_loop3A_528, %parallel_loop3A_529, %parallel_loop3A_530], %parallel_loop3A_526 {strides = array<i32>} : memref<5x128x128xf32, #tpu.memory_space<vmem>>, vector<16xf32>,
        %parallel_loop3A_532 = vector.bitcast %parallel_loop3A_525 : vector<16xi32> to vector<16xf32>
        %parallel_loop3A_533 = arith.constant 4 : i32
        %parallel_loop3A_534 = arith.index_cast %parallel_loop3A_533 : i32 to index
        %parallel_loop3A_535 = arith.index_cast %parallel_loop3A_453 : i32 to index
        %parallel_loop3A_536 = arith.constant 112 : index
        %parallel_loop3A_537 = tpu.vector_load %arg7[%parallel_loop3A_534, %parallel_loop3A_535, %parallel_loop3A_536] {strides = array<i32>} : memref<5x128x128xf32, #tpu.memory_space<vmem>>, vector<16xf32>,
        tpu.vector_store %arg7[%parallel_loop3A_534, %parallel_loop3A_535, %parallel_loop3A_536], %parallel_loop3A_532 {strides = array<i32>} : memref<5x128x128xf32, #tpu.memory_space<vmem>>, vector<16xf32>,
      } {sc.loop_unroll_factor = 2 : i64, sc.parallel_access}
      %add3A_433 = arith.constant 512 : i32
      %add3A_434 = arith.addi %add3A_142, %add3A_433 : i32
      %dma_start3A_435 = arith.constant 4 : i32
      %dma_start3A_436 = arith.constant 0 : i32
      %dma_start3A_437 = arith.constant 0 : i32
      %dma_start3A_438 = tpu.memref_slice %arg7[%dma_start3A_435, %dma_start3A_436, %dma_start3A_437] : memref<5x128x128xf32, #tpu.memory_space<vmem>> -> memref<1x128x128xf32, #tpu.memory_space<vmem>>
      %dma_start3A_439 = tpu.memref_squeeze %dma_start3A_438 : memref<1x128x128xf32, #tpu.memory_space<vmem>> -> memref<128x128xf32, #tpu.memory_space<vmem>>
      %dma_start3A_440 = arith.constant 0 : i32
      %dma_start3A_441 = tpu.memref_slice %arg4[%add3A_434, %dma_start3A_440] : memref<819200x128xf32, #tpu.memory_space<hbm>> -> memref<128x128xf32, #tpu.memory_space<hbm>>
      %dma_start3A_442 = arith.constant 0 : i32
      %dma_start3A_443 = tpu.memref_slice %arg4[%add3A_434, %dma_start3A_442] : memref<819200x128xf32, #tpu.memory_space<hbm>> -> memref<128x128xf32, #tpu.memory_space<hbm>>
      %dma_start3A_444 = arith.constant 0 : i32
      %dma_start3A_445 = arith.constant 0 : i32
      %dma_start3A_446 = tpu.memref_slice %arg7[%dma_start3A_435, %dma_start3A_444, %dma_start3A_445] : memref<5x128x128xf32, #tpu.memory_space<vmem>> -> memref<1x128x128xf32, #tpu.memory_space<vmem>>
      %dma_start3A_447 = tpu.memref_squeeze %dma_start3A_446 : memref<1x128x128xf32, #tpu.memory_space<vmem>> -> memref<128x128xf32, #tpu.memory_space<vmem>>
      tpu.enqueue_dma source(%dma_start3A_447 : memref<128x128xf32, #tpu.memory_space<vmem>>) target(%dma_start3A_443 : memref<128x128xf32, #tpu.memory_space<hbm>>) target_semaphore(%arg22 : memref<!tpu.dma_semaphore, #tpu.memory_space<semaphore_mem>>)
      %lt3A_448 = arith.constant 39 : i32
      %lt3A_449 = arith.cmpi slt, %scan3A_139, %lt3A_448 : i32
      %convert_element_type3A_450 = arith.extui %lt3A_449 : i1 to i32
      %cond3A_451 = arith.constant 0 : i32
      %cond3A_452 = arith.cmpi ne, %convert_element_type3A_450, %cond3A_451 : i32
      scf.if %cond3A_452 {
        %add3A_453 = arith.constant 640 : i32
        %add3A_454 = arith.addi %add3A_142, %add3A_453 : i32
        %add3A_455 = arith.constant 512 : i32
        %add3A_456 = arith.addi %add3A_454, %add3A_455 : i32
        %dma_start3A_457 = arith.constant 4 : i32
        %dma_start3A_458 = arith.constant 0 : i32
        %dma_start3A_459 = tpu.memref_slice %arg5[%dma_start3A_457, %dma_start3A_458] : memref<5x128xi32, #tpu.memory_space<vmem>> -> memref<1x128xi32, #tpu.memory_space<vmem>>
        %dma_start3A_460 = tpu.memref_squeeze %dma_start3A_459 : memref<1x128xi32, #tpu.memory_space<vmem>> -> memref<128xi32, #tpu.memory_space<vmem>>
        %dma_start3A_461 = tpu.memref_slice %arg3[%add3A_456] : memref<819200xi32, #tpu.memory_space<hbm>> -> memref<128xi32, #tpu.memory_space<hbm>>
        %dma_start3A_462 = arith.constant 0 : i32
        %dma_start3A_463 = tpu.memref_slice %arg5[%dma_start3A_457, %dma_start3A_462] : memref<5x128xi32, #tpu.memory_space<vmem>> -> memref<1x128xi32, #tpu.memory_space<vmem>>
        %dma_start3A_464 = tpu.memref_squeeze %dma_start3A_463 : memref<1x128xi32, #tpu.memory_space<vmem>> -> memref<128xi32, #tpu.memory_space<vmem>>
        %dma_start3A_465 = tpu.memref_slice %arg3[%add3A_456] : memref<819200xi32, #tpu.memory_space<hbm>> -> memref<128xi32, #tpu.memory_space<hbm>>
        tpu.enqueue_dma source(%dma_start3A_465 : memref<128xi32, #tpu.memory_space<hbm>>) target(%dma_start3A_464 : memref<128xi32, #tpu.memory_space<vmem>>) target_semaphore(%arg12 : memref<!tpu.dma_semaphore, #tpu.memory_space<semaphore_mem>>)
      } else {
      }
    }
    %scan3A_62 = arith.constant 40 : i32
    %add3A_63 = arith.constant 24960 : i32
    %add3A_64 = arith.addi %mul3A_2, %add3A_63 : i32
    %add3A_65 = arith.constant 0 : i32
    %add3A_66 = arith.addi %add3A_64, %add3A_65 : i32
    %dma_wait3A = arith.constant 0 : i32
    %dma_wait3A_67 = arith.constant 0 : i32
    %dma_wait3A_68 = arith.constant 0 : i32
    %dma_wait3A_69 = tpu.memref_slice %arg7[%dma_wait3A, %dma_wait3A_67, %dma_wait3A_68] : memref<5x128x128xf32, #tpu.memory_space<vmem>> -> memref<1x128x128xf32, #tpu.memory_space<vmem>>
    %dma_wait3A_70 = tpu.memref_squeeze %dma_wait3A_69 : memref<1x128x128xf32, #tpu.memory_space<vmem>> -> memref<128x128xf32, #tpu.memory_space<vmem>>
    %dma_wait3A_71 = arith.constant 0 : i32
    %dma_wait3A_72 = tpu.memref_slice %arg4[%add3A_66, %dma_wait3A_71] : memref<819200x128xf32, #tpu.memory_space<hbm>> -> memref<128x128xf32, #tpu.memory_space<hbm>>
    %dma_wait3A_73 = arith.constant 0 : i32
    %dma_wait3A_74 = tpu.memref_slice %arg4[%add3A_66, %dma_wait3A_73] : memref<819200x128xf32, #tpu.memory_space<hbm>> -> memref<128x128xf32, #tpu.memory_space<hbm>>
    %dma_wait3A_75 = arith.constant 0 : i32
    %dma_wait3A_76 = arith.constant 0 : i32
    %dma_wait3A_77 = tpu.memref_slice %arg7[%dma_wait3A, %dma_wait3A_75, %dma_wait3A_76] : memref<5x128x128xf32, #tpu.memory_space<vmem>> -> memref<1x128x128xf32, #tpu.memory_space<vmem>>
    %dma_wait3A_78 = tpu.memref_squeeze %dma_wait3A_77 : memref<1x128x128xf32, #tpu.memory_space<vmem>> -> memref<128x128xf32, #tpu.memory_space<vmem>>
    tpu.wait_dma2 semaphore(%arg18 : memref<!tpu.dma_semaphore, #tpu.memory_space<semaphore_mem>>) src(%dma_wait3A_78 : memref<128x128xf32, #tpu.memory_space<vmem>>) dst(%dma_wait3A_74 : memref<128x128xf32, #tpu.memory_space<hbm>>)
    %add3A_79 = arith.constant 128 : i32
    %add3A_80 = arith.addi %add3A_64, %add3A_79 : i32
    %dma_wait3A_81 = arith.constant 1 : i32
    %dma_wait3A_82 = arith.constant 0 : i32
    %dma_wait3A_83 = arith.constant 0 : i32
    %dma_wait3A_84 = tpu.memref_slice %arg7[%dma_wait3A_81, %dma_wait3A_82, %dma_wait3A_83] : memref<5x128x128xf32, #tpu.memory_space<vmem>> -> memref<1x128x128xf32, #tpu.memory_space<vmem>>
    %dma_wait3A_85 = tpu.memref_squeeze %dma_wait3A_84 : memref<1x128x128xf32, #tpu.memory_space<vmem>> -> memref<128x128xf32, #tpu.memory_space<vmem>>
    %dma_wait3A_86 = arith.constant 0 : i32
    %dma_wait3A_87 = tpu.memref_slice %arg4[%add3A_80, %dma_wait3A_86] : memref<819200x128xf32, #tpu.memory_space<hbm>> -> memref<128x128xf32, #tpu.memory_space<hbm>>
    %dma_wait3A_88 = arith.constant 0 : i32
    %dma_wait3A_89 = tpu.memref_slice %arg4[%add3A_80, %dma_wait3A_88] : memref<819200x128xf32, #tpu.memory_space<hbm>> -> memref<128x128xf32, #tpu.memory_space<hbm>>
    %dma_wait3A_90 = arith.constant 0 : i32
    %dma_wait3A_91 = arith.constant 0 : i32
    %dma_wait3A_92 = tpu.memref_slice %arg7[%dma_wait3A_81, %dma_wait3A_90, %dma_wait3A_91] : memref<5x128x128xf32, #tpu.memory_space<vmem>> -> memref<1x128x128xf32, #tpu.memory_space<vmem>>
    %dma_wait3A_93 = tpu.memref_squeeze %dma_wait3A_92 : memref<1x128x128xf32, #tpu.memory_space<vmem>> -> memref<128x128xf32, #tpu.memory_space<vmem>>
    tpu.wait_dma2 semaphore(%arg19 : memref<!tpu.dma_semaphore, #tpu.memory_space<semaphore_mem>>) src(%dma_wait3A_93 : memref<128x128xf32, #tpu.memory_space<vmem>>) dst(%dma_wait3A_89 : memref<128x128xf32, #tpu.memory_space<hbm>>)
    %add3A_94 = arith.constant 256 : i32
    %add3A_95 = arith.addi %add3A_64, %add3A_94 : i32
    %dma_wait3A_96 = arith.constant 2 : i32
    %dma_wait3A_97 = arith.constant 0 : i32
    %dma_wait3A_98 = arith.constant 0 : i32
    %dma_wait3A_99 = tpu.memref_slice %arg7[%dma_wait3A_96, %dma_wait3A_97, %dma_wait3A_98] : memref<5x128x128xf32, #tpu.memory_space<vmem>> -> memref<1x128x128xf32, #tpu.memory_space<vmem>>
    %dma_wait3A_100 = tpu.memref_squeeze %dma_wait3A_99 : memref<1x128x128xf32, #tpu.memory_space<vmem>> -> memref<128x128xf32, #tpu.memory_space<vmem>>
    %dma_wait3A_101 = arith.constant 0 : i32
    %dma_wait3A_102 = tpu.memref_slice %arg4[%add3A_95, %dma_wait3A_101] : memref<819200x128xf32, #tpu.memory_space<hbm>> -> memref<128x128xf32, #tpu.memory_space<hbm>>
    %dma_wait3A_103 = arith.constant 0 : i32
    %dma_wait3A_104 = tpu.memref_slice %arg4[%add3A_95, %dma_wait3A_103] : memref<819200x128xf32, #tpu.memory_space<hbm>> -> memref<128x128xf32, #tpu.memory_space<hbm>>
    %dma_wait3A_105 = arith.constant 0 : i32
    %dma_wait3A_106 = arith.constant 0 : i32
    %dma_wait3A_107 = tpu.memref_slice %arg7[%dma_wait3A_96, %dma_wait3A_105, %dma_wait3A_106] : memref<5x128x128xf32, #tpu.memory_space<vmem>> -> memref<1x128x128xf32, #tpu.memory_space<vmem>>
    %dma_wait3A_108 = tpu.memref_squeeze %dma_wait3A_107 : memref<1x128x128xf32, #tpu.memory_space<vmem>> -> memref<128x128xf32, #tpu.memory_space<vmem>>
    tpu.wait_dma2 semaphore(%arg20 : memref<!tpu.dma_semaphore, #tpu.memory_space<semaphore_mem>>) src(%dma_wait3A_108 : memref<128x128xf32, #tpu.memory_space<vmem>>) dst(%dma_wait3A_104 : memref<128x128xf32, #tpu.memory_space<hbm>>)
    %add3A_109 = arith.constant 384 : i32
    %add3A_110 = arith.addi %add3A_64, %add3A_109 : i32
    %dma_wait3A_111 = arith.constant 3 : i32
    %dma_wait3A_112 = arith.constant 0 : i32
    %dma_wait3A_113 = arith.constant 0 : i32
    %dma_wait3A_114 = tpu.memref_slice %arg7[%dma_wait3A_111, %dma_wait3A_112, %dma_wait3A_113] : memref<5x128x128xf32, #tpu.memory_space<vmem>> -> memref<1x128x128xf32, #tpu.memory_space<vmem>>
    %dma_wait3A_115 = tpu.memref_squeeze %dma_wait3A_114 : memref<1x128x128xf32, #tpu.memory_space<vmem>> -> memref<128x128xf32, #tpu.memory_space<vmem>>
    %dma_wait3A_116 = arith.constant 0 : i32
    %dma_wait3A_117 = tpu.memref_slice %arg4[%add3A_110, %dma_wait3A_116] : memref<819200x128xf32, #tpu.memory_space<hbm>> -> memref<128x128xf32, #tpu.memory_space<hbm>>
    %dma_wait3A_118 = arith.constant 0 : i32
    %dma_wait3A_119 = tpu.memref_slice %arg4[%add3A_110, %dma_wait3A_118] : memref<819200x128xf32, #tpu.memory_space<hbm>> -> memref<128x128xf32, #tpu.memory_space<hbm>>
    %dma_wait3A_120 = arith.constant 0 : i32
    %dma_wait3A_121 = arith.constant 0 : i32
    %dma_wait3A_122 = tpu.memref_slice %arg7[%dma_wait3A_111, %dma_wait3A_120, %dma_wait3A_121] : memref<5x128x128xf32, #tpu.memory_space<vmem>> -> memref<1x128x128xf32, #tpu.memory_space<vmem>>
    %dma_wait3A_123 = tpu.memref_squeeze %dma_wait3A_122 : memref<1x128x128xf32, #tpu.memory_space<vmem>> -> memref<128x128xf32, #tpu.memory_space<vmem>>
    tpu.wait_dma2 semaphore(%arg21 : memref<!tpu.dma_semaphore, #tpu.memory_space<semaphore_mem>>) src(%dma_wait3A_123 : memref<128x128xf32, #tpu.memory_space<vmem>>) dst(%dma_wait3A_119 : memref<128x128xf32, #tpu.memory_space<hbm>>)
    %add3A_124 = arith.constant 512 : i32
    %add3A_125 = arith.addi %add3A_64, %add3A_124 : i32
    %dma_wait3A_126 = arith.constant 4 : i32
    %dma_wait3A_127 = arith.constant 0 : i32
    %dma_wait3A_128 = arith.constant 0 : i32
    %dma_wait3A_129 = tpu.memref_slice %arg7[%dma_wait3A_126, %dma_wait3A_127, %dma_wait3A_128] : memref<5x128x128xf32, #tpu.memory_space<vmem>> -> memref<1x128x128xf32, #tpu.memory_space<vmem>>
    %dma_wait3A_130 = tpu.memref_squeeze %dma_wait3A_129 : memref<1x128x128xf32, #tpu.memory_space<vmem>> -> memref<128x128xf32, #tpu.memory_space<vmem>>
    %dma_wait3A_131 = arith.constant 0 : i32
    %dma_wait3A_132 = tpu.memref_slice %arg4[%add3A_125, %dma_wait3A_131] : memref<819200x128xf32, #tpu.memory_space<hbm>> -> memref<128x128xf32, #tpu.memory_space<hbm>>
    %dma_wait3A_133 = arith.constant 0 : i32
    %dma_wait3A_134 = tpu.memref_slice %arg4[%add3A_125, %dma_wait3A_133] : memref<819200x128xf32, #tpu.memory_space<hbm>> -> memref<128x128xf32, #tpu.memory_space<hbm>>
    %dma_wait3A_135 = arith.constant 0 : i32
    %dma_wait3A_136 = arith.constant 0 : i32
    %dma_wait3A_137 = tpu.memref_slice %arg7[%dma_wait3A_126, %dma_wait3A_135, %dma_wait3A_136] : memref<5x128x128xf32, #tpu.memory_space<vmem>> -> memref<1x128x128xf32, #tpu.memory_space<vmem>>
    %dma_wait3A_138 = tpu.memref_squeeze %dma_wait3A_137 : memref<1x128x128xf32, #tpu.memory_space<vmem>> -> memref<128x128xf32, #tpu.memory_space<vmem>>
    tpu.wait_dma2 semaphore(%arg22 : memref<!tpu.dma_semaphore, #tpu.memory_space<semaphore_mem>>) src(%dma_wait3A_138 : memref<128x128xf32, #tpu.memory_space<vmem>>) dst(%dma_wait3A_134 : memref<128x128xf32, #tpu.memory_space<hbm>>)
    return
  }
}

module attributes {stable_mosaic.version = 14 : i64} {
  func.func @_convert_body(%arg0: i32, %arg1: memref<10000x128xf32, #tpu.memory_space<vmem>>, %arg2: memref<5000x128xi32, #tpu.memory_space<vmem>>) attributes {dimension_semantics = [#tpu.dimension_semantics<arbitrary>], iteration_bounds = array<i64: 10>, scalar_prefetch = 0 : i64, scratch_operands = 0 : i64, tpu.core_type = #tpu.core_type<tc>, window_params = [{transform_indices = @transform_0, window_bounds = array<i64: 10000, 128>}, {transform_indices = @transform_1, window_bounds = array<i64: 5000, 128>}]} {
    %get3A = arith.constant 0 : index
    %get3A_0 = arith.constant 0 : index
    %get3A_1 = vector.load %arg1[%get3A, %get3A_0] : memref<10000x128xf32, #tpu.memory_space<vmem>>, vector<10000x128xf32>
    %mul3A = arith.constant 11.3137083 : f32
    %mul3A_2 = vector.broadcast %mul3A : f32 to vector<10000x128xf32>
    %mul3A_3 = arith.mulf %get3A_1, %mul3A_2 : vector<10000x128xf32>
    %slice3A = vector.extract_strided_slice %mul3A_3 {offsets = [0, 0], sizes = [10000, 64], strides = [1, 1]} : vector<10000x128xf32> to vector<10000x64xf32>
    %convert_element_type3A = arith.truncf %slice3A : vector<10000x64xf32> to vector<10000x64xbf16>
    %bitcast_convert_type3A = tpu.bitcast %convert_element_type3A : vector<10000x64xbf16> -> vector<10000x64xi16>
    %convert_element_type3A_4 = arith.extui %bitcast_convert_type3A : vector<10000x64xi16> to vector<10000x64xi32>
    %slice3A_5 = vector.extract_strided_slice %mul3A_3 {offsets = [0, 64], sizes = [10000, 64], strides = [1, 1]} : vector<10000x128xf32> to vector<10000x64xf32>
    %convert_element_type3A_6 = arith.truncf %slice3A_5 : vector<10000x64xf32> to vector<10000x64xbf16>
    %bitcast_convert_type3A_7 = tpu.bitcast %convert_element_type3A_6 : vector<10000x64xbf16> -> vector<10000x64xi16>
    %convert_element_type3A_8 = arith.extui %bitcast_convert_type3A_7 : vector<10000x64xi16> to vector<10000x64xi32>
    %shift_left3A = arith.constant 16 : i32
    %shift_left3A_9 = vector.broadcast %shift_left3A : i32 to vector<10000x64xi32>
    %shift_left3A_10 = arith.shli %convert_element_type3A_8, %shift_left3A_9 : vector<10000x64xi32>
    %or3A = arith.ori %convert_element_type3A_4, %shift_left3A_10 : vector<10000x64xi32>
    %reshape3A = vector.shape_cast %or3A : vector<10000x64xi32> to vector<5000x2x64xi32>
    %slice3A_11 = vector.extract_strided_slice %reshape3A {offsets = [0, 0, 0], sizes = [5000, 1, 64], strides = [1, 1, 1]} : vector<5000x2x64xi32> to vector<5000x1x64xi32>
    %squeeze3A = vector.shape_cast %slice3A_11 : vector<5000x1x64xi32> to vector<5000x64xi32>
    %slice3A_12 = vector.extract_strided_slice %reshape3A {offsets = [0, 1, 0], sizes = [5000, 1, 64], strides = [1, 1, 1]} : vector<5000x2x64xi32> to vector<5000x1x64xi32>
    %squeeze3A_13 = vector.shape_cast %slice3A_12 : vector<5000x1x64xi32> to vector<5000x64xi32>
    %concatenate3A = tpu.concatenate %squeeze3A, %squeeze3A_13 in 1 : vector<5000x64xi32>, vector<5000x64xi32> -> vector<5000x128xi32>
    %swap3A = arith.constant 0 : index
    %swap3A_14 = arith.constant 0 : index
    %swap3A_15 = vector.load %arg2[%swap3A, %swap3A_14] : memref<5000x128xi32, #tpu.memory_space<vmem>>, vector<5000x128xi32>
    tpu.vector_store %arg2[%swap3A, %swap3A_14], %concatenate3A {strides = array<i32>} : memref<5000x128xi32, #tpu.memory_space<vmem>>, vector<5000x128xi32>,
    return
  }
  func.func @transform_0(%arg0: i32) -> (i32, i32) {
    %c0_i32 = arith.constant 0 : i32
    %c0_i32_0 = arith.constant 0 : i32
    return %arg0, %c0_i32 : i32, i32
  }
  func.func @transform_1(%arg0: i32) -> (i32, i32) {
    %c0_i32 = arith.constant 0 : i32
    %c0_i32_0 = arith.constant 0 : i32
    return %arg0, %c0_i32 : i32, i32
  }
}

</mosaic_0001>

<sc_bundles>
// kernel: kernel.4.cloned.1.call-start
scs
__scs_entry_jumppad:
0x0: {  	(pc) =	sbr.rel $0x88, $3  }
0x1: {  	(tag) =	ssettag $0x0;
	lr =	simm.s32 $0x1  }
0x2: {  	[smem:$0x3F9F] =	sst lr;
	_ =	strace $0xD0000000  }
0x3: {  	_ = 	snop  }
0x4: {  	_ = 	snop  }
0x5: {  	_ = 	snop  }
0x6: {  	_ = 	snop  }
0x7: {  	_ = 	snop  }
__scs_overlays_trampoline_lowered:
0x8: {  	[smem:$0x3FAE] =	sst s0  }
0x9: {  	[smem:$0x3FAF] =	sst s1  }
0xa: {  	[smem:$0x3FB0] =	sst s2  }
0xb: {  	[smem:$0x3FB1] =	sst s3  }
0xc: {  	[smem:$0x3FB2] =	sst s4  }
0xd: {  	[smem:$0x3FB3] =	sst s5  }
0xe: {  	[smem:$0x3FB4] =	sst s6  }
0xf: {  	[smem:$0x3FB5] =	sst s7  }
0x10: {  	[smem:$0x3FB6] =	sst s8  }
0x11: {  	[smem:$0x3FB7] =	sst s9;
	s0 =	simm.s32 @!p0 $0x0  }
0x12: {  	s1 =	sld [smem:$0x3F9D];
	s0 =	simm.s32 @p0 $0x1  }
0x13: {  	[smem:$0x3FB8] =	sst s0;
	s0 =	simm.s32 @!p1 $0x0  }
0x14: {  	s2 =	sld [smem:$0x3F9C];
	s0 =	simm.s32 @p1 $0x1  }
0x15: {  	[smem:$0x3FB9] =	sst s0;
	s0 =	simm.s32 @!p2 $0x0  }
0x16: {  	s3 =	sld [smem:$0x3FDB];
	s0 =	simm.s32 @p2 $0x1  }
0x17: {  	s4 =	simm.s32 $0x1BF5;
	[smem:$0x3FBB] =	sst s0  }
0x18: {  	s0 =	sld [smem:$0x3F9E];
	_ =	swait.ge [sflag:s4], $0x0  }
0x19: {  	s7 =	sld [smem:$0x3F9F]  }
0x1a: {  	s8 =	sadd.s32 $0xFFFFE003, lr  }
0x1b: {  	s9 =	sadd.s32 $0xFFFFFEF7, lr;
	s5 =	simm.s32 $0xFFFFFFFF;
	p2 =	slt.u32 s8, $0xFFFFF086  }
0x1c: {  	p1 =	slt.u32 s9, $0xF7A;
	s5 =	simm.s32 @!p2 $0x0  }
0x1d: {  	s5 =	simm.s32 @p1 $0x1;
	p0 =	seq.s32 s7, s2  }
0x1e: {  	s7 =	smul.u32 @!p0 $0xF7A, s2;
	p2 =	seq.s32 @!p0 s5, $0x0  }
0x1f: {  	s9 =	smul.u32 $0xF7A, s1;
	s8 =	simm.s32 @!p0 $0x1BF5;
	p2 =	por !p2, p0  }
0x20: {  	[sflag:s8] =	ssyncset.s32 @!p0 $0xFFFFF086;
	s6 =	sadd.s32 @!p0 s3, s7;
	s7 =	simm.s32 @!p0 $0x108  }
0x21: {  	s3 =	sadd.s32 s3, s9;
	s6 =	sadd.s32 @!p0 $0x88, s6;
	s7 =	simm.s32 @p2 $0x1082  }
0x22: {  	[simem:s7], [sflag:s8] =	dma.local @!p0 [hbm:s6], $0xF7A  }
0x23: {  	s9 =	sor.u32 $0xD0000000, s2;
	s6 =	simm.s32 $0x108;
	_ =	swait.ge @!p0 [sflag:s8], $0x0  }
0x24: {  	s3 =	sadd.s32 $0x88, s3;
	s6 =	simm.s32 @!p1 $0x1082;
	[sflag:s4] =	ssyncset.s32 $0xFFFFF086  }
0x25: {  	[simem:s6], [sflag:s4] =	dma.local [hbm:s3], $0xF7A  }
0x26: {  	[smem:$0x3F9F] =	sst s1;
	(tag) =	ssettag s2;
	_ =	strace s9  }
0x27: {  	s1 =	sld [smem:$0x3FAF]  }
0x28: {  	s2 =	sld [smem:$0x3FB0]  }
0x29: {  	s4 =	sld [smem:$0x3FB2]  }
0x2a: {  	p0 =	seq.s32 s5, $0x0;
	s5 =	sld [smem:$0x3FB3]  }
0x2b: {  	s6 =	sld [smem:$0x3FB4]  }
0x2c: {  	s7 =	sld [smem:$0x3FB5]  }
0x2d: {  	s3 =	simm.s32 $0x108;
	s8 =	sld [smem:$0x3FB6]  }
0x2e: {  	s3 =	simm.s32 @!p0 $0x1082;
	s9 =	sld [smem:$0x3FB7]  }
0x2f: {  	lr =	sadd.s32 s0, s3;
	s0 =	sld [smem:$0x3FAE]  }
0x30: {  	s3 =	sld [smem:$0x3FB1]  }
0x31: {  	[smem:$0x3FBA] =	sst s10  }
0x32: {  	s10 =	sld [smem:$0x3FB8];
	_ =	sdelay $0x3  }
0x33: {  	p0 =	seq.s32 s10, $0x1;
	s10 =	sld [smem:$0x3FBA];
	_ =	sdelay $0x3  }
0x34: {  	[smem:$0x3FBA] =	sst s10  }
0x35: {  	s10 =	sld [smem:$0x3FB9];
	_ =	sdelay $0x3  }
0x36: {  	p1 =	seq.s32 s10, $0x1;
	s10 =	sld [smem:$0x3FBA];
	_ =	sdelay $0x3  }
0x37: {  	[smem:$0x3FBA] =	sst s10  }
0x38: {  	s10 =	sld [smem:$0x3FBB]  }
0x39: {  	_ = 	snop;
	(pc) =	sbr.ind lr, $3  }
0x3a: {  	_ = 	snop  }
0x3b: {  	_ = 	snop  }
0x3c: {  	p2 =	seq.s32 s10, $0x1;
	s10 =	sld [smem:$0x3FBA]  }
0x3d: {  	_ =	shalt  }
0x3e: {  	_ =	shalt  }
0x3f: {  	_ =	shalt  }
0x40: {  	_ =	shalt  }
0x41: {  	_ =	shalt  }
0x42: {  	_ =	shalt  }
0x43: {  	_ =	shalt  }
0x44: {  	_ =	shalt  }
0x45: {  	_ =	shalt  }
0x46: {  	_ =	shalt  }
0x47: {  	_ =	shalt  }
0x48: {  	_ =	shalt  }
0x49: {  	_ =	shalt  }
0x4a: {  	_ =	shalt  }
0x4b: {  	_ =	shalt  }
0x4c: {  	_ =	shalt  }
0x4d: {  	_ =	shalt  }
0x4e: {  	_ =	shalt  }
0x4f: {  	_ =	shalt  }
0x50: {  	_ =	shalt  }
0x51: {  	_ =	shalt  }
0x52: {  	_ =	shalt  }
0x53: {  	_ =	shalt  }
0x54: {  	_ =	shalt  }
0x55: {  	_ =	shalt  }
0x56: {  	_ =	shalt  }
0x57: {  	_ =	shalt  }
0x58: {  	_ =	shalt  }
0x59: {  	_ =	shalt  }
0x5a: {  	_ =	shalt  }
0x5b: {  	_ =	shalt  }
0x5c: {  	_ =	shalt  }
0x5d: {  	_ =	shalt  }
0x5e: {  	_ =	shalt  }
0x5f: {  	_ =	shalt  }
0x60: {  	_ =	shalt  }
0x61: {  	_ =	shalt  }
0x62: {  	_ =	shalt  }
0x63: {  	_ =	shalt  }
0x64: {  	_ =	shalt  }
0x65: {  	_ =	shalt  }
0x66: {  	_ =	shalt  }
0x67: {  	_ =	shalt  }
0x68: {  	_ =	shalt  }
0x69: {  	_ =	shalt  }
0x6a: {  	_ =	shalt  }
0x6b: {  	_ =	shalt  }
0x6c: {  	_ =	shalt  }
0x6d: {  	_ =	shalt  }
0x6e: {  	_ =	shalt  }
0x6f: {  	_ =	shalt  }
0x70: {  	_ =	shalt  }
0x71: {  	_ =	shalt  }
0x72: {  	_ =	shalt  }
0x73: {  	_ =	shalt  }
0x74: {  	_ =	shalt  }
0x75: {  	_ =	shalt  }
0x76: {  	_ =	shalt  }
0x77: {  	_ =	shalt  }
0x78: {  	_ =	shalt  }
0x79: {  	_ =	shalt  }
0x7a: {  	_ =	shalt  }
0x7b: {  	_ =	shalt  }
0x7c: {  	_ =	shalt  }
0x7d: {  	_ =	shalt  }
0x7e: {  	_ =	shalt  }
0x7f: {  	_ =	shalt  }
0x80: {  	_ =	shalt  }
0x81: {  	_ =	shalt  }
0x82: {  	_ =	shalt  }
0x83: {  	_ =	shalt  }
0x84: {  	_ =	shalt  }
0x85: {  	_ =	shalt  }
0x86: {  	_ =	shalt  }
0x87: {  	_ =	shalt  }
.Lfunc_end0:
.L_simem_size_0:
called_computation_lowered:
.L_overlay_start_0:
0x88: {  	s2 =	sld [smem:$0x3FD9]  }
0x89: {  	s3 =	sld [smem:$0x3FFE];
	_ =	sdelay $0x1  }
0x8a: {  	s1 =	srdreg.scid  }
0x8b: {  	s0 =	sand.u32 $0x1, s1  }
0x8c: {  	s17 =	sshll.u32 s0, $0xA;
	s2 =	sadd.s32 s3, s2  }
0x8d: {  	s2 =	sadd.s32 s2, s17  }
0x8e: {  	[smem:$0x3FC6] =	sst s2  }
0x8f: {  	_ = 	snop  }
0x90: {  	s2 =	sld [smem:$0x3FD0];
	(tm) =	ssettm $0x1  }
0x91: {  	s18 =	sld [smem:$0x3FFB];
	_ =	sdelay $0x3  }
0x92: {  	_ =	strace s18  }
0x93: {  	s3 =	sld [smem:$0x3FFC];
	_ =	sdelay $0x3  }
0x94: {  	_ =	strace s3  }
0x95: {  	s3 =	sld [smem:$0x3FFD];
	_ =	sdelay $0x3  }
0x96: {  	_ =	strace s3  }
0x97: {  	_ =	strace $0x8FFFFFFF  }
0x98: {  	s19 =	sld [smem:$0x3FDB];
	_ =	sdelay $0x1  }
0x99: {  	s4 =	simm.s32 $_scs_section_size  }
0x9a: {  	s5 =	simm.s32 $_size__tile_overlayer_lowered;
	s6 =	simm.s32 $_tile_overlayer_lowered  }
0x9b: {  	s22 =	simm.s32 $0x1BFF;
	s21 =	sshll.u32 s6, $0x1;
	s3 =	sadd.s32 s4, s19  }
0x9c: {  	s7 =	simm.s32 $0x0;
	s20 =	sshll.u32 s5, $0x1;
	s5 =	sadd.s32 s21, s3  }
0x9d: {  	[timem:s7], [sflag:s22] =	dma.local [hbm:s5], s20  }
0x9e: {  	_ =	swait.ge [sflag:s22], s20  }
0x9f: {  	s4 =	ssub.s32 $0x0, s20;
	[sflag:s22] =	ssyncset.done $0x0  }
0xa0: {  	[sflag:s22] =	ssyncadd.s32 s4;
	_ =	sdelay $0x1  }
0xa1: {  	s23 =	simm.s32 $0x1B8B  }
0xa2: {  	_ =	swait.ge [sflag:s23], $0x1  }
0xa3: {  	[sflag:s23] =	ssyncset.done $0x0  }
0xa4: {  	s25 =	simm.s32 $0x1B8E;
	s24 =	sld [smem:$0x3FFE];
	[sflag:s23] =	ssyncadd.s32 $0xFFFFFFFF  }
0xa5: {  	s26 =	simm.s32 $execute0_lowered;
	[smem:$0x3FD2] =	sst s25  }
0xa6: {  	s5 =	sshll.u32 s26, $0x1;
	_ =	strace $0x80000046;
	[dreg:$0x1] =	wrdreg $0xFFFFFFFF  }
0xa7: {  	s28 =	simm.s32 $_size_execute0_lowered;
	s3 =	sadd.s32 s3, s5;
	[dreg:$0x0] =	wrdreg $0x0  }
0xa8: {  	s5 =	sshll.u32 s28, $0x1;
	[dreg:$0x2] =	wrdreg s3  }
0xa9: {  	[dreg:$0x3] =	wrdreg s5  }
0xaa: {  	[dreg:$0x4] =	wrdreg $0xC0  }
0xab: {  	_ =	task [dreg:s7], $0x5FFFF  }
0xac: {  	[dreg:$0x1] =	wrdreg $0xFFFFFFFF  }
0xad: {  	[dreg:$0x0] =	wrdreg $0x60  }
0xae: {  	[dreg:$0x2] =	wrdreg s24  }
0xaf: {  	[dreg:$0x3] =	wrdreg s2  }
0xb0: {  	[dreg:$0x4] =	wrdreg $0x9  }
0xb1: {  	_ =	task.clear_ibuf [dreg:s7], $0x5FFFF;
	_ =	strace $0x90000046  }
0xb2: {  	s29 =	simm.s32 $0x9;
	_ =	strace $0x80000048  }
0xb3: {  	_ =	swait.ge [sflag:s29], $0x1  }
0xb4: {  	[sflag:s29] =	ssyncadd.s32 $0xFFFFFFFF  }
0xb5: {  	_ =	strace $0x90000048  }
0xb6: {  	_ =	sfence  }
0xb7: {  	s30 =	sld [smem:$0x0];
	_ =	sdelay $0x2  }
0xb8: {  	s31 =	sshll.u32 s1, $0xD;
	s1 =	sshrl.u32 s1, $0x2  }
0xb9: {  	s3 =	sand.u32 $0x4000, s31;
	s1 =	sadd.s32 s1, s30  }
0xba: {  	s0 =	sor.u32 s3, s0;
	s1 =	sshll.u32 s1, $0x11  }
0xbb: {  	s0 =	sor.u32 s1, s0  }
0xbc: {  	s0 =	sadd.s32 $0x8F2B, s0  }
0xbd: {  	[sflag:s0] =	ssyncadd.remote.s32 $0x1  }
0xbe: {  	_ =	sfence.sel $0xFFFF  }
0xbf: {  	[dreg:$0x0] =	wrdreg $0xFFFFFFFF;
	(pc) =	sbr.abs _section_cstart, $3  }
0xc0: {  	[dreg:$0x1] =	wrdreg $0xFFFFFFFF  }
0xc1: {  	_ =	task.clear_ibuf [dreg:s7], $0x2FFFF;
	_ =	strace $0x9FFFFFFF  }
0xc2: {  	(tm) =	ssettm $0x7FFFFFFF  }
0xc3: {  	_ =	shalt  }
tec
execute0_lowered:
.L_overlay_start_1:
0x0: {  	(tag) =	ssettag $0x1  }
0x1: {  	s0 =	rddreg [dreg:$0x0]  }
0x2: {  	s1 =	srdreg.scid;
	s2 =	stileid.u32  }
0x3: {  	s7 =	rddreg [dreg:$0x1];
	s3 =	simm.s32 $0x0;
	s17 =	simm.s32 $0x80  }
0x4: {  	s19 =	simm.s32 $0x180;
	s20 =	simm.s32 $0x200;
	s21 =	simm.s32 $0x2  }
0x5: {  	s23 =	simm.s32 $0x4;
	s28 =	simm.s32 $0x6;
	s30 =	simm.s32 $0x7  }
0x6: {  	s18 =	simm.s32 $0x9;
	s8 =	simm.s32 $0x16280;
	s9 =	simm.s32 $0xA  }
0x7: {  	s10 =	simm.s32 $0x1A280;
	s1 =	sand.u32 $0x1, s1;
	s2 =	sshll.u32 s2, $0x1  }
0x8: {  	[smem:$0x7FF] =	sst s3;
	s2 =	sor.u32 s1, s2;
	s1 =	ssub.s32 $0x2, s1  }
0x9: {  	s5 =	sadd.s32 $0x400, s0;
	s4 =	smul.u32 $0x6400, s2;
	s24 =	sshrl.u32 s1, $0x1  }
0xa: {  	s6 =	sadd.s32 $0x19400, s0;
	s12 =	sadd.s32 $0x800, s7;
	s0 =	ssub.s32 s1, s24  }
0xb: {  	s13 =	sadd.s32 $0x1000, s7;
	s2 =	sshrl.u32 s4, $0x3;
	s0 =	smax.u32 s0, $0x1  }
0xc: {  	_ =	strace $0x80000047;
	s2 =	sadd.s32 s5, s2;
	[dreg:$0x8] =	wrdreg s0  }
.Ltmp0:
0xd: {  	s25 =	sadd.s32 $0x10, s2;
	[dreg:$0x3] =	wrdreg s2;
	(pc) =	sbr.rel .LBB2_1-.Ltmp0, $4  }
0xe: {  	s14 =	sadd.s32 $0x1800, s7;
	s26 =	sadd.s32 $0x20, s2;
	[dreg:$0x4] =	wrdreg s25  }
0xf: {  	s15 =	sadd.s32 $0x2000, s7;
	s29 =	sadd.s32 $0x30, s2;
	[dreg:$0x5] =	wrdreg s26  }
0x10: {  	s7 =	simm.s32 $0x0;
	s31 =	sadd.s32 $0x40, s2;
	[dreg:$0x6] =	wrdreg s29  }
0x11: {  	s1 =	simm.s32 $0x8;
	[dreg:$0x7] =	wrdreg s31;
	s25 =	simm.s32 $0x5  }
.LBB2_14:
0x12: {  	s0 =	simm.s32 $0xB  }
0x13: {  	_ =	swait.ge [sflag:s0], $0x4000  }
0x14: {  	[sflag:s0] =	ssyncset.done $0x0  }
0x15: {  	s24 =	simm.s32 $0xC;
	[sflag:s0] =	ssyncadd.s32 $0xFFFFC000  }
0x16: {  	_ =	swait.ge [sflag:s24], $0x4000  }
0x17: {  	[sflag:s24] =	ssyncset.done $0x0  }
0x18: {  	s26 =	simm.s32 $0xD;
	[sflag:s24] =	ssyncadd.s32 $0xFFFFC000  }
0x19: {  	_ =	swait.ge [sflag:s26], $0x4000  }
0x1a: {  	[sflag:s26] =	ssyncset.done $0x0  }
0x1b: {  	s29 =	simm.s32 $0xE;
	[sflag:s26] =	ssyncadd.s32 $0xFFFFC000  }
0x1c: {  	_ =	swait.ge [sflag:s29], $0x4000  }
0x1d: {  	[sflag:s29] =	ssyncset.done $0x0  }
0x1e: {  	s2 =	simm.s32 $0xF;
	[sflag:s29] =	ssyncadd.s32 $0xFFFFC000  }
0x1f: {  	_ =	swait.ge [sflag:s2], $0x4000  }
0x20: {  	s7 =	rddreg [dreg:$0x9]  }
0x21: {  	s31 =	rddreg [dreg:$0x8];
	s7 =	sadd.s32 $0x1, s7  }
0x22: {  	p0 =	sne.s32 s7, s31  }
.Ltmp1:
0x23: {  	_ = 	snop;
	(pc) =	sbr.rel @!p0 .LBB2_15-.Ltmp1, $3  }
0x24: {  	_ =	sdelay $0x1  }
0x25: {  	[sflag:s2] =	ssyncset.done $0x0  }
0x26: {  	[sflag:s2] =	ssyncadd.s32 $0xFFFFC000  }
.LBB2_1:
0x27: {  	[dreg:$0x9] =	wrdreg s7  }
0x28: {  	s0 =	rddreg [dreg:$0x3]  }
0x29: {  	[tilespmem:s3], [sflag:$0x1] =	stream.linear.gather [hbm4b:s0+s3], $0x80, $0x38;
	[tilespmem:$0x1E280] =	vst v63  }
0x2a: {  	s24 =	rddreg [dreg:$0x4]  }
0x2b: {  	[tilespmem:s17], [sflag:$0x2] =	stream.linear.gather [hbm4b:s24+s3], $0x80, $0x38;
	[tilespmem:$0x1E280] =	vst v63  }
0x2c: {  	s26 =	rddreg [dreg:$0x5];
	s2 =	simm.s32 $0x100  }
0x2d: {  	[tilespmem:s2], [sflag:$0x3] =	stream.linear.gather [hbm4b:s26+s3], $0x80, $0x38;
	[tilespmem:$0x1E280] =	vst v63  }
0x2e: {  	s29 =	rddreg [dreg:$0x6]  }
0x2f: {  	[tilespmem:s19], [sflag:$0x4] =	stream.linear.gather [hbm4b:s29+s3], $0x80, $0x38;
	[tilespmem:$0x1E280] =	vst v63  }
0x30: {  	s31 =	rddreg [dreg:$0x7];
	s11 =	simm.s32 $0x0  }
0x31: {  	[tilespmem:s20], [sflag:$0x5] =	stream.linear.gather [hbm4b:s31+s3], $0x80, $0x38;
	[tilespmem:$0x1E280] =	vst v63  }
.LBB2_2:
0x32: {  	p0 =	seq.s32 s11, $0x0  }
0x33: {  	s0 =	simm.s32 @p0 $0x1  }
0x34: {  	_ =	swait.ge @p0 [sflag:s0], $0x80  }
0x35: {  	s2 =	simm.s32 @p0 $0x0;
	[sflag:s0] =	ssyncset.done @p0 $0x0  }
0x36: {  	s7 =	simm.s32 @p0 $0x280;
	[sflag:s0] =	ssyncadd.s32 @p0 $0xFFFFFF80;
	s0 =	simm.s32 @p0 $0x80  }
0x37: {  	[tilespmem:s7], [sflag:$0x6] =	stream.indirect.gather @p0 [hbm4b:s6+s0], $0x40, s2, s0, $0xb8;
	[tilespmem:$0x1E280] =	vst v63  }
0x38: {  	s2 =	simm.s32 @!p0 $0xB  }
0x39: {  	_ =	swait.ge @!p0 [sflag:s2], $0x4000  }
0x3a: {  	[sflag:s2] =	ssyncset.done @!p0 $0x0  }
0x3b: {  	[sflag:s2] =	ssyncadd.s32 @!p0 $0xFFFFC000;
	s2 =	simm.s32 @!p0 $0x1  }
0x3c: {  	_ =	swait.ge @!p0 [sflag:s2], $0x80  }
0x3d: {  	s16 =	simm.s32 @!p0 $0x280;
	[sflag:s2] =	ssyncset.done @!p0 $0x0  }
0x3e: {  	s7 =	simm.s32 @!p0 $0x0;
	[sflag:s2] =	ssyncadd.s32 @!p0 $0xFFFFFF80;
	s2 =	simm.s32 @!p0 $0x80  }
0x3f: {  	[tilespmem:s16], [sflag:$0x6] =	stream.indirect.gather @!p0 [hbm4b:s6+s2], $0x40, s7, s2, $0xb8;
	[tilespmem:$0x1E280] =	vst v63  }
0x40: {  	s7 =	simm.s32 @!p0 $0xC  }
0x41: {  	_ =	swait.ge @!p0 [sflag:s7], $0x4000  }
0x42: {  	[sflag:s7] =	ssyncset.done @!p0 $0x0  }
0x43: {  	[sflag:s7] =	ssyncadd.s32 @!p0 $0xFFFFC000  }
0x44: {  	_ =	swait.ge [sflag:s21], $0x80  }
0x45: {  	[sflag:s21] =	ssyncset.done $0x0  }
0x46: {  	s31 =	simm.s32 $0x2280;
	s7 =	simm.s32 @p0 $0x3;
	[sflag:s21] =	ssyncadd.s32 $0xFFFFFF80  }
0x47: {  	[tilespmem:s31], [sflag:$0x7] =	stream.indirect.gather [hbm4b:s6+s17], $0x40, s17, s17, $0xb8;
	[tilespmem:$0x1E280] =	vst v63  }
0x48: {  	_ =	swait.ge @p0 [sflag:s7], $0x80  }
0x49: {  	[sflag:s7] =	ssyncset.done @p0 $0x0  }
0x4a: {  	s16 =	simm.s32 @p0 $0x4280;
	[sflag:s7] =	ssyncadd.s32 @p0 $0xFFFFFF80;
	s7 =	simm.s32 @p0 $0x100  }
0x4b: {  	[tilespmem:s16], [sflag:$0x8] =	stream.indirect.gather @p0 [hbm4b:s6+s0], $0x40, s7, s0, $0xb8;
	[tilespmem:$0x1E280] =	vst v63  }
0x4c: {  	s0 =	simm.s32 @!p0 $0xD  }
0x4d: {  	_ =	swait.ge @!p0 [sflag:s0], $0x4000  }
0x4e: {  	[sflag:s0] =	ssyncset.done @!p0 $0x0  }
0x4f: {  	[sflag:s0] =	ssyncadd.s32 @!p0 $0xFFFFC000;
	s0 =	simm.s32 @!p0 $0x3  }
0x50: {  	_ =	swait.ge @!p0 [sflag:s0], $0x80  }
0x51: {  	[sflag:s0] =	ssyncset.done @!p0 $0x0  }
0x52: {  	s7 =	simm.s32 @!p0 $0x4280;
	[sflag:s0] =	ssyncadd.s32 @!p0 $0xFFFFFF80;
	s0 =	simm.s32 @!p0 $0x100  }
0x53: {  	[tilespmem:s7], [sflag:$0x8] =	stream.indirect.gather @!p0 [hbm4b:s6+s2], $0x40, s0, s2, $0xb8;
	[tilespmem:$0x1E280] =	vst v63  }
0x54: {  	s0 =	simm.s32 @!p0 $0xE  }
0x55: {  	_ =	swait.ge @!p0 [sflag:s0], $0x4000  }
0x56: {  	[sflag:s0] =	ssyncset.done @!p0 $0x0  }
0x57: {  	[sflag:s0] =	ssyncadd.s32 @!p0 $0xFFFFC000  }
0x58: {  	_ =	swait.ge [sflag:s23], $0x80  }
0x59: {  	[sflag:s23] =	ssyncset.done $0x0  }
0x5a: {  	s16 =	simm.s32 $0x6280;
	s0 =	simm.s32 @!p0 $0xF;
	[sflag:s23] =	ssyncadd.s32 $0xFFFFFF80  }
0x5b: {  	[tilespmem:s16], [sflag:$0x9] =	stream.indirect.gather [hbm4b:s6+s17], $0x40, s19, s17, $0xb8;
	[tilespmem:$0x1E280] =	vst v63  }
0x5c: {  	_ =	swait.ge @!p0 [sflag:s0], $0x4000  }
0x5d: {  	[sflag:s0] =	ssyncset.done @!p0 $0x0  }
0x5e: {  	[sflag:s0] =	ssyncadd.s32 @!p0 $0xFFFFC000  }
0x5f: {  	_ =	swait.ge [sflag:s25], $0x80  }
0x60: {  	[sflag:s25] =	ssyncset.done $0x0  }
0x61: {  	s22 =	simm.s32 $0x8280;
	[sflag:s25] =	ssyncadd.s32 $0xFFFFFF80  }
0x62: {  	[tilespmem:s22], [sflag:$0xA] =	stream.indirect.gather [hbm4b:s6+s17], $0x40, s20, s17, $0xb8;
	[tilespmem:$0x1E280] =	vst v63  }
0x63: {  	_ =	swait.ge [sflag:s28], $0x2000  }
0x64: {  	[sflag:s28] =	ssyncset.done $0x0  }
0x65: {  	s24 =	simm.s32 $0x2C0;
	[sflag:s28] =	ssyncadd.s32 $0xFFFFE000  }
0x66: {  	v0 =	vld [tilespmem:s24+$0x0];
	_ =	sdelay $0x3  }
0x67: {  	v1 =	vld [tilespmem:s24+$0xFFFFFFC0]  }
0x68: {  	s2 =	simm.s32 $0xA300;
	v2 =	vshll.u32 v0, $0x10  }
0x69: {  	v0 =	vand.u32 $0xFFFF0000, v0;
	[tilespmem:s2+$0x0] =	vst v2  }
0x6a: {  	[tilespmem:s2+$0x40] =	vst v0  }
0x6b: {  	v0 =	vld [tilespmem:s24+$0x10]  }
0x6c: {  	v2 =	vshll.u32 v1, $0x10  }
0x6d: {  	v1 =	vand.u32 $0xFFFF0000, v1;
	[tilespmem:s2+$0xFFFFFF80] =	vst v2  }
0x6e: {  	[tilespmem:s2+$0xFFFFFFC0] =	vst v1  }
0x6f: {  	v1 =	vld [tilespmem:s24+$0xFFFFFFD0]  }
0x70: {  	s7 =	simm.s32 $0x340;
	v2 =	vshll.u32 v0, $0x10  }
0x71: {  	v0 =	vand.u32 $0xFFFF0000, v0;
	[tilespmem:s2+$0x10] =	vst v2;
	v2 =	vld [tilespmem:s7+$0x0]  }
0x72: {  	[tilespmem:s2+$0x50] =	vst v0  }
0x73: {  	v0 =	vld [tilespmem:s24+$0x20]  }
0x74: {  	v3 =	vshll.u32 v1, $0x10  }
0x75: {  	v1 =	vand.u32 $0xFFFF0000, v1;
	[tilespmem:s2+$0xFFFFFF90] =	vst v3;
	v3 =	vld [tilespmem:s7+$0xFFFFFFC0]  }
0x76: {  	s22 =	simm.s32 $0xA400;
	[tilespmem:s2+$0xFFFFFFD0] =	vst v1;
	v1 =	vshll.u32 v2, $0x10  }
0x77: {  	v2 =	vand.u32 $0xFFFF0000, v2;
	[tilespmem:s22+$0x0] =	vst v1;
	v1 =	vld [tilespmem:s24+$0xFFFFFFE0]  }
0x78: {  	[tilespmem:s22+$0x40] =	vst v2;
	v2 =	vshll.u32 v0, $0x10  }
0x79: {  	v0 =	vand.u32 $0xFFFF0000, v0;
	[tilespmem:s2+$0x20] =	vst v2  }
0x7a: {  	v2 =	vld [tilespmem:s7+$0x10];
	[tilespmem:s2+$0x60] =	vst v0;
	v0 =	vshll.u32 v3, $0x10  }
0x7b: {  	v3 =	vand.u32 $0xFFFF0000, v3;
	v4 =	vld [tilespmem:s24+$0x30];
	[tilespmem:s22+$0xFFFFFF80] =	vst v0  }
0x7c: {  	[tilespmem:s22+$0xFFFFFFC0] =	vst v3;
	v0 =	vshll.u32 v1, $0x10  }
0x7d: {  	v3 =	vld [tilespmem:s7+$0xFFFFFFD0];
	v1 =	vand.u32 $0xFFFF0000, v1;
	[tilespmem:s2+$0xFFFFFFA0] =	vst v0  }
0x7e: {  	s31 =	smul.u32 $0x280, s11;
	[tilespmem:s2+$0xFFFFFFE0] =	vst v1  }
0x7f: {  	s26 =	simm.s32 $0x2;
	v0 =	vshll.u32 v2, $0x10;
	v1 =	vld [tilespmem:s24+$0xFFFFFFF0]  }
0x80: {  	s29 =	simm.s32 $0x3C0;
	s16 =	sadd.s32 s4, s31;
	[tilespmem:s22+$0x10] =	vst v0;
	v0 =	vshll.u32 v4, $0x10;
	v4 =	vand.u32 $0xFFFF0000, v4;
	s24 =	simm.s32 $0xA400  }
.LBB2_3:
0x81: {  	v5 =	vld [tilespmem:s29+$0x0];
	v2 =	vand.u32 $0xFFFF0000, v2;
	[tilespmem:s2+$0x70] =	vst v4  }
0x82: {  	v4 =	vld [tilespmem:s29+$0xFFFFFFC0];
	v6 =	vshll.u32 v3, $0x10;
	v3 =	vand.u32 $0xFFFF0000, v3;
	[tilespmem:s22+$0x50] =	vst v2  }
0x83: {  	[tilespmem:s22+$0xFFFFFF90] =	vst v6;
	v2 =	vld [tilespmem:s7+$0x20]  }
0x84: {  	[tilespmem:s22+$0xFFFFFFD0] =	vst v3;
	v3 =	vshll.u32 v1, $0x10;
	v1 =	vand.u32 $0xFFFF0000, v1  }
0x85: {  	v6 =	vld [tilespmem:s7+$0xFFFFFFE0];
	[tilespmem:s2+$0xFFFFFFB0] =	vst v3  }
0x86: {  	s26 =	sadd.s32 $0x2, s26;
	s22 =	sadd.s32 $0x100, s22;
	v3 =	vshll.u32 v5, $0x10;
	[tilespmem:s2+$0xFFFFFFF0] =	vst v1  }
0x87: {  	p0 =	slt.u32 s26, $0x7E;
	v5 =	vand.u32 $0xFFFF0000, v5;
	v1 =	vshll.u32 v4, $0x10;
	v4 =	vand.u32 $0xFFFF0000, v4;
	[tilespmem:s22+$0x0] =	vst v3  }
0x88: {  	[tilespmem:s22+$0x40] =	vst v5;
	v3 =	vshll.u32 v2, $0x10  }
0x89: {  	v5 =	vand.u32 $0xFFFF0000, v2;
	[tilespmem:s24+$0x20] =	vst v3  }
0x8a: {  	v2 =	vld [tilespmem:s29+$0x10];
	v7 =	vshll.u32 v6, $0x10;
	v6 =	vand.u32 $0xFFFF0000, v6;
	[tilespmem:s24+$0x60] =	vst v5  }
0x8b: {  	[tilespmem:s22+$0xFFFFFF80] =	vst v1;
	v5 =	vld [tilespmem:s7+$0x30]  }
.Ltmp2:
0x8c: {  	[tilespmem:s22+$0xFFFFFFC0] =	vst v4;
	(pc) =	sbr.rel @p0 .LBB2_3-.Ltmp2, $4  }
0x8d: {  	v3 =	vld [tilespmem:s29+$0xFFFFFFD0];
	[tilespmem:s24+$0xFFFFFFA0] =	vst v7  }
0x8e: {  	[tilespmem:s24+$0xFFFFFFE0] =	vst v6  }
0x8f: {  	v4 =	vshll.u32 v2, $0x10;
	v1 =	vld [tilespmem:s7+$0xFFFFFFF0];
	[tilespmem:s2+$0x30] =	vst v0;
	s2 =	smov.u32 s24;
	s24 =	smov.u32 s22;
	s7 =	smov.u32 s29  }
0x90: {  	s29 =	sadd.s32 $0x80, s29;
	[tilespmem:s22+$0x10] =	vst v4;
	v0 =	vshll.u32 v5, $0x10;
	v4 =	vand.u32 $0xFFFF0000, v5  }
0x91: {  	v2 =	vand.u32 $0xFFFF0000, v2  }
0x92: {  	v5 =	vshll.u32 v3, $0x10;
	[tilespmem:s22+$0x50] =	vst v2  }
0x93: {  	v2 =	vand.u32 $0xFFFF0000, v3;
	[tilespmem:s22+$0xFFFFFF90] =	vst v5;
	v3 =	vld [tilespmem:s7+$0x20]  }
0x94: {  	[tilespmem:s22+$0xFFFFFFD0] =	vst v2  }
0x95: {  	v2 =	vld [tilespmem:s7+$0xFFFFFFE0];
	_ =	sdelay $0x2  }
0x96: {  	v5 =	vshll.u32 v3, $0x10  }
0x97: {  	v3 =	vand.u32 $0xFFFF0000, v3;
	[tilespmem:s24+$0x20] =	vst v5  }
0x98: {  	v5 =	vshll.u32 v2, $0x10;
	[tilespmem:s24+$0x60] =	vst v3  }
0x99: {  	v2 =	vand.u32 $0xFFFF0000, v2;
	[tilespmem:s24+$0xFFFFFFA0] =	vst v5  }
0x9a: {  	v3 =	vld [tilespmem:s7+$0x30];
	[tilespmem:s24+$0xFFFFFFE0] =	vst v2  }
0x9b: {  	v2 =	vld [tilespmem:s7+$0xFFFFFFF0]  }
0x9c: {  	[tilespmem:s2+$0x70] =	vst v4  }
0x9d: {  	[tilespmem:s2+$0x30] =	vst v0;
	v4 =	vshll.u32 v1, $0x10  }
0x9e: {  	v1 =	vand.u32 $0xFFFF0000, v1;
	[tilespmem:s2+$0xFFFFFFB0] =	vst v4  }
0x9f: {  	[tilespmem:s2+$0xFFFFFFF0] =	vst v1;
	v0 =	vand.u32 $0xFFFF0000, v3  }
0xa0: {  	[tilespmem:s24+$0x70] =	vst v0;
	v0 =	vshll.u32 v2, $0x10  }
0xa1: {  	v1 =	vand.u32 $0xFFFF0000, v2;
	[tilespmem:s24+$0xFFFFFFB0] =	vst v0  }
0xa2: {  	s0 =	rddreg [dreg:$0x1];
	s7 =	sshll.u32 s16, $0x4;
	v0 =	vshll.u32 v3, $0x10;
	[tilespmem:s24+$0xFFFFFFF0] =	vst v1  }
0xa3: {  	s26 =	simm.s32 $0xA280;
	p0 =	seq.s32 s11, $0x27;
	s0 =	sadd.s32 s0, s7;
	[tilespmem:s24+$0x30] =	vst v0  }
0xa4: {  	[hbm4b:s0+s3] =	stream.linear.scatter [tilespmem:s26], [sflag:$0xB], $0x4000, $0x38;
	[tilespmem:$0x1E280] =	vst v63  }
0xa5: {  	s0 =	sshrl.u32 @!p0 s16, $0x3  }
0xa6: {  	s2 =	sadd.s32 @!p0 s5, s0  }
0xa7: {  	s22 =	simm.s32 @!p0 $0x0;
	s0 =	sadd.s32 @!p0 $0x50, s2  }
0xa8: {  	[tilespmem:s22], [sflag:$0x1] =	stream.linear.gather @!p0 [hbm4b:s0+s22], $0x80, $0x38;
	[tilespmem:$0x1E280] =	vst v63  }
0xa9: {  	_ =	swait.ge [sflag:s30], $0x2000  }
0xaa: {  	[sflag:s30] =	ssyncset.done $0x0  }
0xab: {  	s0 =	simm.s32 $0x22F0;
	[sflag:s30] =	ssyncadd.s32 $0xFFFFE000  }
0xac: {  	v0 =	vld [tilespmem:s0+$0xFFFFFFD0];
	_ =	sdelay $0x3  }
0xad: {  	v1 =	vld [tilespmem:s0+$0xFFFFFF90]  }
0xae: {  	s22 =	simm.s32 $0xE370;
	v2 =	vshll.u32 v0, $0x10  }
0xaf: {  	v0 =	vand.u32 $0xFFFF0000, v0;
	[tilespmem:s22+$0xFFFFFF90] =	vst v2  }
0xb0: {  	[tilespmem:s22+$0xFFFFFFD0] =	vst v0  }
0xb1: {  	v0 =	vld [tilespmem:s0+$0xFFFFFFE0]  }
0xb2: {  	v2 =	vshll.u32 v1, $0x10  }
0xb3: {  	v1 =	vand.u32 $0xFFFF0000, v1;
	[tilespmem:s22+$0xFFFFFF10] =	vst v2  }
0xb4: {  	[tilespmem:s22+$0xFFFFFF50] =	vst v1  }
0xb5: {  	v1 =	vld [tilespmem:s0+$0xFFFFFFA0]  }
0xb6: {  	s24 =	simm.s32 $0x2370;
	v2 =	vshll.u32 v0, $0x10  }
0xb7: {  	v0 =	vand.u32 $0xFFFF0000, v0;
	[tilespmem:s22+$0xFFFFFFA0] =	vst v2;
	v2 =	vld [tilespmem:s24+$0xFFFFFFD0]  }
0xb8: {  	[tilespmem:s22+$0xFFFFFFE0] =	vst v0  }
0xb9: {  	v0 =	vld [tilespmem:s0+$0xFFFFFFF0]  }
0xba: {  	v3 =	vshll.u32 v1, $0x10  }
0xbb: {  	v1 =	vand.u32 $0xFFFF0000, v1;
	[tilespmem:s22+$0xFFFFFF20] =	vst v3;
	v3 =	vld [tilespmem:s24+$0xFFFFFF90]  }
0xbc: {  	s26 =	simm.s32 $0xE470;
	[tilespmem:s22+$0xFFFFFF60] =	vst v1;
	v1 =	vshll.u32 v2, $0x10  }
0xbd: {  	v2 =	vand.u32 $0xFFFF0000, v2;
	[tilespmem:s26+$0xFFFFFF90] =	vst v1;
	v1 =	vld [tilespmem:s0+$0xFFFFFFB0]  }
0xbe: {  	[tilespmem:s26+$0xFFFFFFD0] =	vst v2;
	v2 =	vshll.u32 v0, $0x10  }
0xbf: {  	v0 =	vand.u32 $0xFFFF0000, v0;
	[tilespmem:s22+$0xFFFFFFB0] =	vst v2  }
0xc0: {  	v2 =	vld [tilespmem:s24+$0xFFFFFFE0];
	[tilespmem:s22+$0xFFFFFFF0] =	vst v0;
	v0 =	vshll.u32 v3, $0x10  }
0xc1: {  	v3 =	vand.u32 $0xFFFF0000, v3;
	v4 =	vld [tilespmem:s0+$0x0];
	[tilespmem:s26+$0xFFFFFF10] =	vst v0  }
0xc2: {  	[tilespmem:s26+$0xFFFFFF50] =	vst v3;
	v0 =	vshll.u32 v1, $0x10  }
0xc3: {  	v3 =	vld [tilespmem:s24+$0xFFFFFFA0];
	v1 =	vand.u32 $0xFFFF0000, v1;
	[tilespmem:s22+$0xFFFFFF30] =	vst v0  }
0xc4: {  	[tilespmem:s22+$0xFFFFFF70] =	vst v1  }
0xc5: {  	v0 =	vshll.u32 v2, $0x10;
	v1 =	vld [tilespmem:s0+$0xFFFFFFC0]  }
0xc6: {  	s31 =	simm.s32 $0x2;
	s29 =	simm.s32 $0xE470;
	[tilespmem:s26+$0xFFFFFFA0] =	vst v0;
	s0 =	simm.s32 $0x23F0;
	v0 =	vshll.u32 v4, $0x10;
	v4 =	vand.u32 $0xFFFF0000, v4  }
.LBB2_5:
0xc7: {  	v5 =	vld [tilespmem:s0+$0xFFFFFFD0];
	v2 =	vand.u32 $0xFFFF0000, v2;
	[tilespmem:s22+$0x0] =	vst v4  }
0xc8: {  	v4 =	vld [tilespmem:s0+$0xFFFFFF90];
	v6 =	vshll.u32 v3, $0x10;
	v3 =	vand.u32 $0xFFFF0000, v3;
	[tilespmem:s26+$0xFFFFFFE0] =	vst v2  }
0xc9: {  	[tilespmem:s26+$0xFFFFFF20] =	vst v6;
	v2 =	vld [tilespmem:s24+$0xFFFFFFF0]  }
0xca: {  	[tilespmem:s26+$0xFFFFFF60] =	vst v3;
	v3 =	vshll.u32 v1, $0x10;
	v1 =	vand.u32 $0xFFFF0000, v1  }
0xcb: {  	v6 =	vld [tilespmem:s24+$0xFFFFFFB0];
	[tilespmem:s22+$0xFFFFFF40] =	vst v3  }
0xcc: {  	s31 =	sadd.s32 $0x2, s31;
	s26 =	sadd.s32 $0x100, s26;
	v3 =	vshll.u32 v5, $0x10;
	[tilespmem:s22+$0xFFFFFF80] =	vst v1  }
0xcd: {  	p1 =	slt.u32 s31, $0x7E;
	v5 =	vand.u32 $0xFFFF0000, v5;
	v1 =	vshll.u32 v4, $0x10;
	v4 =	vand.u32 $0xFFFF0000, v4;
	[tilespmem:s26+$0xFFFFFF90] =	vst v3  }
0xce: {  	[tilespmem:s26+$0xFFFFFFD0] =	vst v5;
	v3 =	vshll.u32 v2, $0x10  }
0xcf: {  	v5 =	vand.u32 $0xFFFF0000, v2;
	[tilespmem:s29+$0xFFFFFFB0] =	vst v3  }
0xd0: {  	v2 =	vld [tilespmem:s0+$0xFFFFFFE0];
	v7 =	vshll.u32 v6, $0x10;
	v6 =	vand.u32 $0xFFFF0000, v6;
	[tilespmem:s29+$0xFFFFFFF0] =	vst v5  }
0xd1: {  	[tilespmem:s26+$0xFFFFFF10] =	vst v1;
	v5 =	vld [tilespmem:s24+$0x0]  }
.Ltmp3:
0xd2: {  	[tilespmem:s26+$0xFFFFFF50] =	vst v4;
	(pc) =	sbr.rel @p1 .LBB2_5-.Ltmp3, $4  }
0xd3: {  	v3 =	vld [tilespmem:s0+$0xFFFFFFA0];
	[tilespmem:s29+$0xFFFFFF30] =	vst v7  }
0xd4: {  	[tilespmem:s29+$0xFFFFFF70] =	vst v6  }
0xd5: {  	v4 =	vshll.u32 v2, $0x10;
	v1 =	vld [tilespmem:s24+$0xFFFFFFC0];
	[tilespmem:s22+$0xFFFFFFC0] =	vst v0;
	s22 =	smov.u32 s29;
	s29 =	smov.u32 s26;
	s24 =	smov.u32 s0  }
0xd6: {  	s0 =	sadd.s32 $0x80, s0;
	[tilespmem:s26+$0xFFFFFFA0] =	vst v4;
	v0 =	vshll.u32 v5, $0x10;
	v4 =	vand.u32 $0xFFFF0000, v5  }
0xd7: {  	v2 =	vand.u32 $0xFFFF0000, v2  }
0xd8: {  	v5 =	vshll.u32 v3, $0x10;
	[tilespmem:s26+$0xFFFFFFE0] =	vst v2  }
0xd9: {  	v2 =	vand.u32 $0xFFFF0000, v3;
	[tilespmem:s26+$0xFFFFFF20] =	vst v5;
	v3 =	vld [tilespmem:s24+$0xFFFFFFF0]  }
0xda: {  	[tilespmem:s26+$0xFFFFFF60] =	vst v2  }
0xdb: {  	v2 =	vld [tilespmem:s24+$0xFFFFFFB0];
	_ =	sdelay $0x2  }
0xdc: {  	v5 =	vshll.u32 v3, $0x10  }
0xdd: {  	v3 =	vand.u32 $0xFFFF0000, v3;
	[tilespmem:s29+$0xFFFFFFB0] =	vst v5  }
0xde: {  	v5 =	vshll.u32 v2, $0x10;
	[tilespmem:s29+$0xFFFFFFF0] =	vst v3  }
0xdf: {  	v2 =	vand.u32 $0xFFFF0000, v2;
	[tilespmem:s29+$0xFFFFFF30] =	vst v5  }
0xe0: {  	v3 =	vld [tilespmem:s24+$0x0];
	[tilespmem:s29+$0xFFFFFF70] =	vst v2  }
0xe1: {  	v2 =	vld [tilespmem:s24+$0xFFFFFFC0]  }
0xe2: {  	[tilespmem:s22+$0x0] =	vst v4  }
0xe3: {  	[tilespmem:s22+$0xFFFFFFC0] =	vst v0;
	v4 =	vshll.u32 v1, $0x10  }
0xe4: {  	v1 =	vand.u32 $0xFFFF0000, v1;
	[tilespmem:s22+$0xFFFFFF40] =	vst v4  }
0xe5: {  	[tilespmem:s22+$0xFFFFFF80] =	vst v1;
	v0 =	vand.u32 $0xFFFF0000, v3  }
0xe6: {  	[tilespmem:s29+$0x0] =	vst v0;
	v0 =	vshll.u32 v2, $0x10  }
0xe7: {  	v1 =	vand.u32 $0xFFFF0000, v2;
	[tilespmem:s29+$0xFFFFFF40] =	vst v0  }
0xe8: {  	v0 =	vshll.u32 v3, $0x10;
	[tilespmem:s29+$0xFFFFFF80] =	vst v1  }
0xe9: {  	s0 =	sadd.s32 s7, s12;
	s26 =	simm.s32 $0xE280;
	[tilespmem:s29+$0xFFFFFFC0] =	vst v0  }
0xea: {  	[hbm4b:s0+s3] =	stream.linear.scatter [tilespmem:s26], [sflag:$0xC], $0x4000, $0x38;
	[tilespmem:$0x1E280] =	vst v63  }
0xeb: {  	s22 =	simm.s32 @!p0 $0x0;
	s24 =	simm.s32 @!p0 $0x80;
	s0 =	sadd.s32 @!p0 $0x60, s2  }
0xec: {  	[tilespmem:s24], [sflag:$0x2] =	stream.linear.gather @!p0 [hbm4b:s0+s22], $0x80, $0x38;
	[tilespmem:$0x1E280] =	vst v63  }
0xed: {  	_ =	swait.ge [sflag:s1], $0x2000  }
0xee: {  	[sflag:s1] =	ssyncset.done $0x0  }
0xef: {  	s0 =	simm.s32 $0x42F0;
	[sflag:s1] =	ssyncadd.s32 $0xFFFFE000  }
0xf0: {  	v0 =	vld [tilespmem:s0+$0xFFFFFFD0];
	_ =	sdelay $0x3  }
0xf1: {  	v1 =	vld [tilespmem:s0+$0xFFFFFF90]  }
0xf2: {  	s22 =	simm.s32 $0x12370;
	v2 =	vshll.u32 v0, $0x10  }
0xf3: {  	v0 =	vand.u32 $0xFFFF0000, v0;
	[tilespmem:s22+$0xFFFFFF90] =	vst v2  }
0xf4: {  	[tilespmem:s22+$0xFFFFFFD0] =	vst v0  }
0xf5: {  	v0 =	vld [tilespmem:s0+$0xFFFFFFE0]  }
0xf6: {  	v2 =	vshll.u32 v1, $0x10  }
0xf7: {  	v1 =	vand.u32 $0xFFFF0000, v1;
	[tilespmem:s22+$0xFFFFFF10] =	vst v2  }
0xf8: {  	[tilespmem:s22+$0xFFFFFF50] =	vst v1  }
0xf9: {  	v1 =	vld [tilespmem:s0+$0xFFFFFFA0]  }
0xfa: {  	s24 =	simm.s32 $0x4370;
	v2 =	vshll.u32 v0, $0x10  }
0xfb: {  	v0 =	vand.u32 $0xFFFF0000, v0;
	[tilespmem:s22+$0xFFFFFFA0] =	vst v2;
	v2 =	vld [tilespmem:s24+$0xFFFFFFD0]  }
0xfc: {  	[tilespmem:s22+$0xFFFFFFE0] =	vst v0  }
0xfd: {  	v0 =	vld [tilespmem:s0+$0xFFFFFFF0]  }
0xfe: {  	v3 =	vshll.u32 v1, $0x10  }
0xff: {  	v1 =	vand.u32 $0xFFFF0000, v1;
	[tilespmem:s22+$0xFFFFFF20] =	vst v3;
	v3 =	vld [tilespmem:s24+$0xFFFFFF90]  }
0x100: {  	s26 =	simm.s32 $0x12470;
	[tilespmem:s22+$0xFFFFFF60] =	vst v1;
	v1 =	vshll.u32 v2, $0x10  }
0x101: {  	v2 =	vand.u32 $0xFFFF0000, v2;
	[tilespmem:s26+$0xFFFFFF90] =	vst v1;
	v1 =	vld [tilespmem:s0+$0xFFFFFFB0]  }
0x102: {  	[tilespmem:s26+$0xFFFFFFD0] =	vst v2;
	v2 =	vshll.u32 v0, $0x10  }
0x103: {  	v0 =	vand.u32 $0xFFFF0000, v0;
	[tilespmem:s22+$0xFFFFFFB0] =	vst v2  }
0x104: {  	v2 =	vld [tilespmem:s24+$0xFFFFFFE0];
	[tilespmem:s22+$0xFFFFFFF0] =	vst v0;
	v0 =	vshll.u32 v3, $0x10  }
0x105: {  	v3 =	vand.u32 $0xFFFF0000, v3;
	v4 =	vld [tilespmem:s0+$0x0];
	[tilespmem:s26+$0xFFFFFF10] =	vst v0  }
0x106: {  	[tilespmem:s26+$0xFFFFFF50] =	vst v3;
	v0 =	vshll.u32 v1, $0x10  }
0x107: {  	v3 =	vld [tilespmem:s24+$0xFFFFFFA0];
	v1 =	vand.u32 $0xFFFF0000, v1;
	[tilespmem:s22+$0xFFFFFF30] =	vst v0  }
0x108: {  	[tilespmem:s22+$0xFFFFFF70] =	vst v1  }
0x109: {  	v0 =	vshll.u32 v2, $0x10;
	v1 =	vld [tilespmem:s0+$0xFFFFFFC0]  }
0x10a: {  	s31 =	simm.s32 $0x2;
	s29 =	simm.s32 $0x12470;
	[tilespmem:s26+$0xFFFFFFA0] =	vst v0;
	s0 =	simm.s32 $0x43F0;
	v0 =	vshll.u32 v4, $0x10;
	v4 =	vand.u32 $0xFFFF0000, v4  }
.LBB2_7:
0x10b: {  	v5 =	vld [tilespmem:s0+$0xFFFFFFD0];
	v2 =	vand.u32 $0xFFFF0000, v2;
	[tilespmem:s22+$0x0] =	vst v4  }
0x10c: {  	v4 =	vld [tilespmem:s0+$0xFFFFFF90];
	v6 =	vshll.u32 v3, $0x10;
	v3 =	vand.u32 $0xFFFF0000, v3;
	[tilespmem:s26+$0xFFFFFFE0] =	vst v2  }
0x10d: {  	[tilespmem:s26+$0xFFFFFF20] =	vst v6;
	v2 =	vld [tilespmem:s24+$0xFFFFFFF0]  }
0x10e: {  	[tilespmem:s26+$0xFFFFFF60] =	vst v3;
	v3 =	vshll.u32 v1, $0x10;
	v1 =	vand.u32 $0xFFFF0000, v1  }
0x10f: {  	v6 =	vld [tilespmem:s24+$0xFFFFFFB0];
	[tilespmem:s22+$0xFFFFFF40] =	vst v3  }
0x110: {  	s31 =	sadd.s32 $0x2, s31;
	s26 =	sadd.s32 $0x100, s26;
	v3 =	vshll.u32 v5, $0x10;
	[tilespmem:s22+$0xFFFFFF80] =	vst v1  }
0x111: {  	p1 =	slt.u32 s31, $0x7E;
	v5 =	vand.u32 $0xFFFF0000, v5;
	v1 =	vshll.u32 v4, $0x10;
	v4 =	vand.u32 $0xFFFF0000, v4;
	[tilespmem:s26+$0xFFFFFF90] =	vst v3  }
0x112: {  	[tilespmem:s26+$0xFFFFFFD0] =	vst v5;
	v3 =	vshll.u32 v2, $0x10  }
0x113: {  	v5 =	vand.u32 $0xFFFF0000, v2;
	[tilespmem:s29+$0xFFFFFFB0] =	vst v3  }
0x114: {  	v2 =	vld [tilespmem:s0+$0xFFFFFFE0];
	v7 =	vshll.u32 v6, $0x10;
	v6 =	vand.u32 $0xFFFF0000, v6;
	[tilespmem:s29+$0xFFFFFFF0] =	vst v5  }
0x115: {  	[tilespmem:s26+$0xFFFFFF10] =	vst v1;
	v5 =	vld [tilespmem:s24+$0x0]  }
.Ltmp4:
0x116: {  	[tilespmem:s26+$0xFFFFFF50] =	vst v4;
	(pc) =	sbr.rel @p1 .LBB2_7-.Ltmp4, $4  }
0x117: {  	v3 =	vld [tilespmem:s0+$0xFFFFFFA0];
	[tilespmem:s29+$0xFFFFFF30] =	vst v7  }
0x118: {  	[tilespmem:s29+$0xFFFFFF70] =	vst v6  }
0x119: {  	v4 =	vshll.u32 v2, $0x10;
	v1 =	vld [tilespmem:s24+$0xFFFFFFC0];
	[tilespmem:s22+$0xFFFFFFC0] =	vst v0;
	s22 =	smov.u32 s29;
	s29 =	smov.u32 s26;
	s24 =	smov.u32 s0  }
0x11a: {  	s0 =	sadd.s32 $0x80, s0;
	[tilespmem:s26+$0xFFFFFFA0] =	vst v4;
	v0 =	vshll.u32 v5, $0x10;
	v4 =	vand.u32 $0xFFFF0000, v5  }
0x11b: {  	v2 =	vand.u32 $0xFFFF0000, v2  }
0x11c: {  	v5 =	vshll.u32 v3, $0x10;
	[tilespmem:s26+$0xFFFFFFE0] =	vst v2  }
0x11d: {  	v2 =	vand.u32 $0xFFFF0000, v3;
	[tilespmem:s26+$0xFFFFFF20] =	vst v5;
	v3 =	vld [tilespmem:s24+$0xFFFFFFF0]  }
0x11e: {  	[tilespmem:s26+$0xFFFFFF60] =	vst v2  }
0x11f: {  	v2 =	vld [tilespmem:s24+$0xFFFFFFB0];
	_ =	sdelay $0x2  }
0x120: {  	v5 =	vshll.u32 v3, $0x10  }
0x121: {  	v3 =	vand.u32 $0xFFFF0000, v3;
	[tilespmem:s29+$0xFFFFFFB0] =	vst v5  }
0x122: {  	v5 =	vshll.u32 v2, $0x10;
	[tilespmem:s29+$0xFFFFFFF0] =	vst v3  }
0x123: {  	v2 =	vand.u32 $0xFFFF0000, v2;
	[tilespmem:s29+$0xFFFFFF30] =	vst v5  }
0x124: {  	v3 =	vld [tilespmem:s24+$0x0];
	[tilespmem:s29+$0xFFFFFF70] =	vst v2  }
0x125: {  	v2 =	vld [tilespmem:s24+$0xFFFFFFC0]  }
0x126: {  	[tilespmem:s22+$0x0] =	vst v4  }
0x127: {  	[tilespmem:s22+$0xFFFFFFC0] =	vst v0;
	v4 =	vshll.u32 v1, $0x10  }
0x128: {  	v1 =	vand.u32 $0xFFFF0000, v1;
	[tilespmem:s22+$0xFFFFFF40] =	vst v4  }
0x129: {  	[tilespmem:s22+$0xFFFFFF80] =	vst v1;
	v0 =	vand.u32 $0xFFFF0000, v3  }
0x12a: {  	[tilespmem:s29+$0x0] =	vst v0;
	v0 =	vshll.u32 v2, $0x10  }
0x12b: {  	v1 =	vand.u32 $0xFFFF0000, v2;
	[tilespmem:s29+$0xFFFFFF40] =	vst v0  }
0x12c: {  	v0 =	vshll.u32 v3, $0x10;
	[tilespmem:s29+$0xFFFFFF80] =	vst v1  }
0x12d: {  	s0 =	sadd.s32 s7, s13;
	s26 =	simm.s32 $0x12280;
	[tilespmem:s29+$0xFFFFFFC0] =	vst v0  }
0x12e: {  	[hbm4b:s0+s3] =	stream.linear.scatter [tilespmem:s26], [sflag:$0xD], $0x4000, $0x38;
	[tilespmem:$0x1E280] =	vst v63  }
0x12f: {  	s22 =	simm.s32 @!p0 $0x0;
	s24 =	simm.s32 @!p0 $0x100;
	s0 =	sadd.s32 @!p0 $0x70, s2  }
0x130: {  	[tilespmem:s24], [sflag:$0x3] =	stream.linear.gather @!p0 [hbm4b:s0+s22], $0x80, $0x38;
	[tilespmem:$0x1E280] =	vst v63  }
0x131: {  	_ =	swait.ge [sflag:s18], $0x2000  }
0x132: {  	[sflag:s18] =	ssyncset.done $0x0  }
0x133: {  	s0 =	simm.s32 $0x62F0;
	[sflag:s18] =	ssyncadd.s32 $0xFFFFE000  }
0x134: {  	v0 =	vld [tilespmem:s0+$0xFFFFFFD0];
	_ =	sdelay $0x3  }
0x135: {  	v1 =	vld [tilespmem:s0+$0xFFFFFF90]  }
0x136: {  	s22 =	simm.s32 $0x16370;
	v2 =	vshll.u32 v0, $0x10  }
0x137: {  	v0 =	vand.u32 $0xFFFF0000, v0;
	[tilespmem:s22+$0xFFFFFF90] =	vst v2  }
0x138: {  	[tilespmem:s22+$0xFFFFFFD0] =	vst v0  }
0x139: {  	v0 =	vld [tilespmem:s0+$0xFFFFFFE0]  }
0x13a: {  	v2 =	vshll.u32 v1, $0x10  }
0x13b: {  	v1 =	vand.u32 $0xFFFF0000, v1;
	[tilespmem:s22+$0xFFFFFF10] =	vst v2  }
0x13c: {  	[tilespmem:s22+$0xFFFFFF50] =	vst v1  }
0x13d: {  	v1 =	vld [tilespmem:s0+$0xFFFFFFA0]  }
0x13e: {  	s24 =	simm.s32 $0x6370;
	v2 =	vshll.u32 v0, $0x10  }
0x13f: {  	v0 =	vand.u32 $0xFFFF0000, v0;
	[tilespmem:s22+$0xFFFFFFA0] =	vst v2;
	v2 =	vld [tilespmem:s24+$0xFFFFFFD0]  }
0x140: {  	[tilespmem:s22+$0xFFFFFFE0] =	vst v0  }
0x141: {  	v0 =	vld [tilespmem:s0+$0xFFFFFFF0]  }
0x142: {  	v3 =	vshll.u32 v1, $0x10  }
0x143: {  	v1 =	vand.u32 $0xFFFF0000, v1;
	[tilespmem:s22+$0xFFFFFF20] =	vst v3;
	v3 =	vld [tilespmem:s24+$0xFFFFFF90]  }
0x144: {  	s26 =	simm.s32 $0x16470;
	[tilespmem:s22+$0xFFFFFF60] =	vst v1;
	v1 =	vshll.u32 v2, $0x10  }
0x145: {  	v2 =	vand.u32 $0xFFFF0000, v2;
	[tilespmem:s26+$0xFFFFFF90] =	vst v1;
	v1 =	vld [tilespmem:s0+$0xFFFFFFB0]  }
0x146: {  	[tilespmem:s26+$0xFFFFFFD0] =	vst v2;
	v2 =	vshll.u32 v0, $0x10  }
0x147: {  	v0 =	vand.u32 $0xFFFF0000, v0;
	[tilespmem:s22+$0xFFFFFFB0] =	vst v2  }
0x148: {  	v2 =	vld [tilespmem:s24+$0xFFFFFFE0];
	[tilespmem:s22+$0xFFFFFFF0] =	vst v0;
	v0 =	vshll.u32 v3, $0x10  }
0x149: {  	v3 =	vand.u32 $0xFFFF0000, v3;
	v4 =	vld [tilespmem:s0+$0x0];
	[tilespmem:s26+$0xFFFFFF10] =	vst v0  }
0x14a: {  	[tilespmem:s26+$0xFFFFFF50] =	vst v3;
	v0 =	vshll.u32 v1, $0x10  }
0x14b: {  	v3 =	vld [tilespmem:s24+$0xFFFFFFA0];
	v1 =	vand.u32 $0xFFFF0000, v1;
	[tilespmem:s22+$0xFFFFFF30] =	vst v0  }
0x14c: {  	[tilespmem:s22+$0xFFFFFF70] =	vst v1  }
0x14d: {  	v0 =	vshll.u32 v2, $0x10;
	v1 =	vld [tilespmem:s0+$0xFFFFFFC0]  }
0x14e: {  	s31 =	simm.s32 $0x2;
	s29 =	simm.s32 $0x16470;
	[tilespmem:s26+$0xFFFFFFA0] =	vst v0;
	s0 =	simm.s32 $0x63F0;
	v0 =	vshll.u32 v4, $0x10;
	v4 =	vand.u32 $0xFFFF0000, v4  }
.LBB2_9:
0x14f: {  	v5 =	vld [tilespmem:s0+$0xFFFFFFD0];
	v2 =	vand.u32 $0xFFFF0000, v2;
	[tilespmem:s22+$0x0] =	vst v4  }
0x150: {  	v4 =	vld [tilespmem:s0+$0xFFFFFF90];
	v6 =	vshll.u32 v3, $0x10;
	v3 =	vand.u32 $0xFFFF0000, v3;
	[tilespmem:s26+$0xFFFFFFE0] =	vst v2  }
0x151: {  	[tilespmem:s26+$0xFFFFFF20] =	vst v6;
	v2 =	vld [tilespmem:s24+$0xFFFFFFF0]  }
0x152: {  	[tilespmem:s26+$0xFFFFFF60] =	vst v3;
	v3 =	vshll.u32 v1, $0x10;
	v1 =	vand.u32 $0xFFFF0000, v1  }
0x153: {  	v6 =	vld [tilespmem:s24+$0xFFFFFFB0];
	[tilespmem:s22+$0xFFFFFF40] =	vst v3  }
0x154: {  	s31 =	sadd.s32 $0x2, s31;
	s26 =	sadd.s32 $0x100, s26;
	v3 =	vshll.u32 v5, $0x10;
	[tilespmem:s22+$0xFFFFFF80] =	vst v1  }
0x155: {  	p1 =	slt.u32 s31, $0x7E;
	v5 =	vand.u32 $0xFFFF0000, v5;
	v1 =	vshll.u32 v4, $0x10;
	v4 =	vand.u32 $0xFFFF0000, v4;
	[tilespmem:s26+$0xFFFFFF90] =	vst v3  }
0x156: {  	[tilespmem:s26+$0xFFFFFFD0] =	vst v5;
	v3 =	vshll.u32 v2, $0x10  }
0x157: {  	v5 =	vand.u32 $0xFFFF0000, v2;
	[tilespmem:s29+$0xFFFFFFB0] =	vst v3  }
0x158: {  	v2 =	vld [tilespmem:s0+$0xFFFFFFE0];
	v7 =	vshll.u32 v6, $0x10;
	v6 =	vand.u32 $0xFFFF0000, v6;
	[tilespmem:s29+$0xFFFFFFF0] =	vst v5  }
0x159: {  	[tilespmem:s26+$0xFFFFFF10] =	vst v1;
	v5 =	vld [tilespmem:s24+$0x0]  }
.Ltmp5:
0x15a: {  	[tilespmem:s26+$0xFFFFFF50] =	vst v4;
	(pc) =	sbr.rel @p1 .LBB2_9-.Ltmp5, $4  }
0x15b: {  	v3 =	vld [tilespmem:s0+$0xFFFFFFA0];
	[tilespmem:s29+$0xFFFFFF30] =	vst v7  }
0x15c: {  	[tilespmem:s29+$0xFFFFFF70] =	vst v6  }
0x15d: {  	v4 =	vshll.u32 v2, $0x10;
	v1 =	vld [tilespmem:s24+$0xFFFFFFC0];
	[tilespmem:s22+$0xFFFFFFC0] =	vst v0;
	s22 =	smov.u32 s29;
	s29 =	smov.u32 s26;
	s24 =	smov.u32 s0  }
0x15e: {  	s0 =	sadd.s32 $0x80, s0;
	[tilespmem:s26+$0xFFFFFFA0] =	vst v4;
	v0 =	vshll.u32 v5, $0x10;
	v4 =	vand.u32 $0xFFFF0000, v5  }
0x15f: {  	v2 =	vand.u32 $0xFFFF0000, v2  }
0x160: {  	v5 =	vshll.u32 v3, $0x10;
	[tilespmem:s26+$0xFFFFFFE0] =	vst v2  }
0x161: {  	v2 =	vand.u32 $0xFFFF0000, v3;
	[tilespmem:s26+$0xFFFFFF20] =	vst v5;
	v3 =	vld [tilespmem:s24+$0xFFFFFFF0]  }
0x162: {  	[tilespmem:s26+$0xFFFFFF60] =	vst v2  }
0x163: {  	v2 =	vld [tilespmem:s24+$0xFFFFFFB0];
	_ =	sdelay $0x2  }
0x164: {  	v5 =	vshll.u32 v3, $0x10  }
0x165: {  	v3 =	vand.u32 $0xFFFF0000, v3;
	[tilespmem:s29+$0xFFFFFFB0] =	vst v5  }
0x166: {  	v5 =	vshll.u32 v2, $0x10;
	[tilespmem:s29+$0xFFFFFFF0] =	vst v3  }
0x167: {  	v2 =	vand.u32 $0xFFFF0000, v2;
	[tilespmem:s29+$0xFFFFFF30] =	vst v5  }
0x168: {  	v3 =	vld [tilespmem:s24+$0x0];
	[tilespmem:s29+$0xFFFFFF70] =	vst v2  }
0x169: {  	v2 =	vld [tilespmem:s24+$0xFFFFFFC0]  }
0x16a: {  	[tilespmem:s22+$0x0] =	vst v4  }
0x16b: {  	[tilespmem:s22+$0xFFFFFFC0] =	vst v0;
	v4 =	vshll.u32 v1, $0x10  }
0x16c: {  	v1 =	vand.u32 $0xFFFF0000, v1;
	[tilespmem:s22+$0xFFFFFF40] =	vst v4  }
0x16d: {  	[tilespmem:s22+$0xFFFFFF80] =	vst v1;
	v0 =	vand.u32 $0xFFFF0000, v3  }
0x16e: {  	[tilespmem:s29+$0x0] =	vst v0;
	v0 =	vshll.u32 v2, $0x10  }
0x16f: {  	v1 =	vand.u32 $0xFFFF0000, v2;
	[tilespmem:s29+$0xFFFFFF40] =	vst v0  }
0x170: {  	v0 =	vshll.u32 v3, $0x10;
	[tilespmem:s29+$0xFFFFFF80] =	vst v1  }
0x171: {  	s0 =	sadd.s32 s7, s14;
	[tilespmem:s29+$0xFFFFFFC0] =	vst v0  }
0x172: {  	[hbm4b:s0+s3] =	stream.linear.scatter [tilespmem:s8], [sflag:$0xE], $0x4000, $0x38;
	[tilespmem:$0x1E280] =	vst v63  }
0x173: {  	s22 =	simm.s32 @!p0 $0x180;
	s0 =	sadd.s32 @!p0 $0x80, s2;
	s2 =	simm.s32 @!p0 $0x0  }
0x174: {  	[tilespmem:s22], [sflag:$0x4] =	stream.linear.gather @!p0 [hbm4b:s0+s2], $0x80, $0x38;
	[tilespmem:$0x1E280] =	vst v63  }
0x175: {  	_ =	swait.ge [sflag:s9], $0x2000  }
0x176: {  	[sflag:s9] =	ssyncset.done $0x0  }
0x177: {  	s31 =	simm.s32 $0x82F0;
	[sflag:s9] =	ssyncadd.s32 $0xFFFFE000  }
0x178: {  	v0 =	vld [tilespmem:s31+$0xFFFFFFD0];
	_ =	sdelay $0x3  }
0x179: {  	v1 =	vld [tilespmem:s31+$0xFFFFFF90]  }
0x17a: {  	s2 =	simm.s32 $0x1A370;
	v2 =	vshll.u32 v0, $0x10  }
0x17b: {  	v0 =	vand.u32 $0xFFFF0000, v0;
	[tilespmem:s2+$0xFFFFFF90] =	vst v2  }
0x17c: {  	[tilespmem:s2+$0xFFFFFFD0] =	vst v0  }
0x17d: {  	v0 =	vld [tilespmem:s31+$0xFFFFFFE0]  }
0x17e: {  	v2 =	vshll.u32 v1, $0x10  }
0x17f: {  	v1 =	vand.u32 $0xFFFF0000, v1;
	[tilespmem:s2+$0xFFFFFF10] =	vst v2  }
0x180: {  	[tilespmem:s2+$0xFFFFFF50] =	vst v1  }
0x181: {  	v1 =	vld [tilespmem:s31+$0xFFFFFFA0]  }
0x182: {  	s22 =	simm.s32 $0x8370;
	v2 =	vshll.u32 v0, $0x10  }
0x183: {  	v0 =	vand.u32 $0xFFFF0000, v0;
	[tilespmem:s2+$0xFFFFFFA0] =	vst v2;
	v2 =	vld [tilespmem:s22+$0xFFFFFFD0]  }
0x184: {  	[tilespmem:s2+$0xFFFFFFE0] =	vst v0  }
0x185: {  	v0 =	vld [tilespmem:s31+$0xFFFFFFF0]  }
0x186: {  	v3 =	vshll.u32 v1, $0x10  }
0x187: {  	v1 =	vand.u32 $0xFFFF0000, v1;
	[tilespmem:s2+$0xFFFFFF20] =	vst v3;
	v3 =	vld [tilespmem:s22+$0xFFFFFF90]  }
0x188: {  	s24 =	simm.s32 $0x1A470;
	[tilespmem:s2+$0xFFFFFF60] =	vst v1;
	v1 =	vshll.u32 v2, $0x10  }
0x189: {  	v2 =	vand.u32 $0xFFFF0000, v2;
	[tilespmem:s24+$0xFFFFFF90] =	vst v1;
	v1 =	vld [tilespmem:s31+$0xFFFFFFB0]  }
0x18a: {  	[tilespmem:s24+$0xFFFFFFD0] =	vst v2;
	v2 =	vshll.u32 v0, $0x10  }
0x18b: {  	v0 =	vand.u32 $0xFFFF0000, v0;
	[tilespmem:s2+$0xFFFFFFB0] =	vst v2  }
0x18c: {  	v2 =	vld [tilespmem:s22+$0xFFFFFFE0];
	[tilespmem:s2+$0xFFFFFFF0] =	vst v0;
	v0 =	vshll.u32 v3, $0x10  }
0x18d: {  	v3 =	vand.u32 $0xFFFF0000, v3;
	v4 =	vld [tilespmem:s31+$0x0];
	[tilespmem:s24+$0xFFFFFF10] =	vst v0  }
0x18e: {  	[tilespmem:s24+$0xFFFFFF50] =	vst v3;
	v0 =	vshll.u32 v1, $0x10  }
0x18f: {  	v3 =	vld [tilespmem:s22+$0xFFFFFFA0];
	v1 =	vand.u32 $0xFFFF0000, v1;
	[tilespmem:s2+$0xFFFFFF30] =	vst v0  }
0x190: {  	[tilespmem:s2+$0xFFFFFF70] =	vst v1  }
0x191: {  	v0 =	vshll.u32 v2, $0x10;
	v1 =	vld [tilespmem:s31+$0xFFFFFFC0]  }
0x192: {  	s26 =	simm.s32 $0x1A470;
	s29 =	simm.s32 $0x2;
	s0 =	simm.s32 $0x83F0;
	[tilespmem:s24+$0xFFFFFFA0] =	vst v0;
	v0 =	vshll.u32 v4, $0x10;
	v4 =	vand.u32 $0xFFFF0000, v4  }
.LBB2_11:
0x193: {  	v5 =	vld [tilespmem:s0+$0xFFFFFFD0];
	v2 =	vand.u32 $0xFFFF0000, v2;
	[tilespmem:s2+$0x0] =	vst v4  }
0x194: {  	v4 =	vld [tilespmem:s0+$0xFFFFFF90];
	v6 =	vshll.u32 v3, $0x10;
	v3 =	vand.u32 $0xFFFF0000, v3;
	[tilespmem:s24+$0xFFFFFFE0] =	vst v2  }
0x195: {  	[tilespmem:s24+$0xFFFFFF20] =	vst v6;
	v2 =	vld [tilespmem:s22+$0xFFFFFFF0]  }
0x196: {  	[tilespmem:s24+$0xFFFFFF60] =	vst v3;
	v3 =	vshll.u32 v1, $0x10;
	v1 =	vand.u32 $0xFFFF0000, v1  }
0x197: {  	v6 =	vld [tilespmem:s22+$0xFFFFFFB0];
	[tilespmem:s2+$0xFFFFFF40] =	vst v3  }
0x198: {  	s29 =	sadd.s32 $0x2, s29;
	s24 =	sadd.s32 $0x100, s24;
	v3 =	vshll.u32 v5, $0x10;
	[tilespmem:s2+$0xFFFFFF80] =	vst v1  }
0x199: {  	p1 =	slt.u32 s29, $0x7E;
	v5 =	vand.u32 $0xFFFF0000, v5;
	v1 =	vshll.u32 v4, $0x10;
	v4 =	vand.u32 $0xFFFF0000, v4;
	[tilespmem:s24+$0xFFFFFF90] =	vst v3  }
0x19a: {  	[tilespmem:s24+$0xFFFFFFD0] =	vst v5;
	v3 =	vshll.u32 v2, $0x10  }
0x19b: {  	v5 =	vand.u32 $0xFFFF0000, v2;
	[tilespmem:s26+$0xFFFFFFB0] =	vst v3  }
0x19c: {  	v2 =	vld [tilespmem:s0+$0xFFFFFFE0];
	v7 =	vshll.u32 v6, $0x10;
	v6 =	vand.u32 $0xFFFF0000, v6;
	[tilespmem:s26+$0xFFFFFFF0] =	vst v5  }
0x19d: {  	[tilespmem:s24+$0xFFFFFF10] =	vst v1;
	v5 =	vld [tilespmem:s22+$0x0]  }
.Ltmp6:
0x19e: {  	[tilespmem:s24+$0xFFFFFF50] =	vst v4;
	(pc) =	sbr.rel @p1 .LBB2_11-.Ltmp6, $4  }
0x19f: {  	v3 =	vld [tilespmem:s0+$0xFFFFFFA0];
	[tilespmem:s26+$0xFFFFFF30] =	vst v7  }
0x1a0: {  	[tilespmem:s26+$0xFFFFFF70] =	vst v6  }
0x1a1: {  	v4 =	vshll.u32 v2, $0x10;
	v1 =	vld [tilespmem:s22+$0xFFFFFFC0];
	[tilespmem:s2+$0xFFFFFFC0] =	vst v0;
	s2 =	smov.u32 s26;
	s26 =	smov.u32 s24;
	s22 =	smov.u32 s0  }
0x1a2: {  	s0 =	sadd.s32 $0x80, s0;
	[tilespmem:s24+$0xFFFFFFA0] =	vst v4;
	v0 =	vshll.u32 v5, $0x10;
	v4 =	vand.u32 $0xFFFF0000, v5  }
0x1a3: {  	v2 =	vand.u32 $0xFFFF0000, v2  }
0x1a4: {  	v5 =	vshll.u32 v3, $0x10;
	[tilespmem:s24+$0xFFFFFFE0] =	vst v2  }
0x1a5: {  	v53 =	vand.u32 $0xFFFF0000, v3;
	[tilespmem:s24+$0xFFFFFF20] =	vst v5;
	v54 =	vld [tilespmem:s22+$0xFFFFFFF0]  }
0x1a6: {  	[tilespmem:s24+$0xFFFFFF60] =	vst v53  }
0x1a7: {  	v2 =	vld [tilespmem:s22+$0xFFFFFFB0];
	_ =	sdelay $0x2  }
0x1a8: {  	v55 =	vshll.u32 v54, $0x10  }
0x1a9: {  	v3 =	vand.u32 $0xFFFF0000, v54;
	[tilespmem:s26+$0xFFFFFFB0] =	vst v55  }
0x1aa: {  	[tilespmem:s26+$0xFFFFFFF0] =	vst v3;
	v56 =	vshll.u32 v2, $0x10  }
0x1ab: {  	v2 =	vand.u32 $0xFFFF0000, v2;
	[tilespmem:s26+$0xFFFFFF30] =	vst v56;
	v57 =	vld [tilespmem:s22+$0x0]  }
0x1ac: {  	[tilespmem:s26+$0xFFFFFF70] =	vst v2  }
0x1ad: {  	[tilespmem:s2+$0x0] =	vst v4;
	v2 =	vld [tilespmem:s22+$0xFFFFFFC0]  }
0x1ae: {  	[tilespmem:s2+$0xFFFFFFC0] =	vst v0;
	v58 =	vshll.u32 v1, $0x10  }
0x1af: {  	v59 =	vand.u32 $0xFFFF0000, v1;
	[tilespmem:s2+$0xFFFFFF40] =	vst v58  }
0x1b0: {  	[tilespmem:s2+$0xFFFFFF80] =	vst v59;
	v60 =	vand.u32 $0xFFFF0000, v57  }
.Ltmp7:
0x1b1: {  	v63 =	vshll.u32 v57, $0x10;
	[tilespmem:s26+$0x0] =	vst v60;
	(pc) =	sbr.rel @p0 .LBB2_14-.Ltmp7, $4  }
0x1b2: {  	v61 =	vshll.u32 v2, $0x10;
	[tilespmem:s26+$0xFFFFFFC0] =	vst v63  }
0x1b3: {  	v62 =	vand.u32 $0xFFFF0000, v2;
	[tilespmem:s26+$0xFFFFFF40] =	vst v61  }
0x1b4: {  	s0 =	sadd.s32 s7, s15;
	[tilespmem:s26+$0xFFFFFF80] =	vst v62  }
0x1b5: {  	[hbm4b:s0+s3] =	stream.linear.scatter [tilespmem:s10], [sflag:$0xF], $0x4000, $0x38;
	[tilespmem:$0x1E280] =	vst v63  }
.Ltmp8:
0x1b6: {  	(pc) =	sbr.rel .LBB2_2-.Ltmp8, $4  }
0x1b7: {  	s0 =	sshrl.u32 s16, $0x3  }
0x1b8: {  	s0 =	sadd.s32 s5, s0  }
0x1b9: {  	s11 =	sadd.s32 $0x1, s11;
	s0 =	sadd.s32 $0x90, s0  }
0x1ba: {  	[tilespmem:s20], [sflag:$0x5] =	stream.linear.gather [hbm4b:s0+s3], $0x80, $0x38;
	[tilespmem:$0x1E280] =	vst v63  }
.LBB2_15:
0x1bb: {  	_ =	sfence.sel $0x180000  }
0x1bc: {  	[bflag:$0x0] =	sbarrier.arrive $0xFFFF  }
0x1bd: {  	_ =	strace $0x90000047  }
0x1be: {  	s0 =	stileid.u32;
	[bflag:$0x2] =	sbarrier.arrive $0xFFFF  }
0x1bf: {  	p0 =	sne.s32 s0, $0x0;
	s0 =	rddreg [dreg:$0x2]  }
0x1c0: {  	s0 =	sadd.s32 @!p0 $0x100000, s0  }
0x1c1: {  	[sflag:s0] =	ssyncadd.tile.s32 @!p0 $0x1;
	_ =	shalt  }
.Lfunc_end2:
_tile_overlayer_lowered:
.L_overlay_start_2:
0x1c2: {  	(tag) =	ssettag $0x2  }
0x1c3: {  	s0 =	rddreg [dreg:$0x0];
	s2 =	stileid.u32  }
0x1c4: {  	s1 =	rddreg [dreg:$0x1];
	p0 =	sne.s32 s2, $0x0  }
0x1c5: {  	s3 =	rddreg [dreg:$0x2];
	[bflag:$0x3] =	sbarrier.arrive $0xFFFF;
	s2 =	simm.s32 @!p0 $0x1C10  }
0x1c6: {  	[timem:s3], [sflag:s2] =	dma.local @!p0 [hbm:s0], s1  }
0x1c7: {  	s0 =	simm.s32 @!p0 $0x10  }
0x1c8: {  	_ =	swait.ge @!p0 [sflag:s0], s1  }
0x1c9: {  	s1 =	ssub.s32 @!p0 $0x0, s1;
	[sflag:s0] =	ssyncset.done @!p0 $0x0  }
0x1ca: {  	[sflag:s0] =	ssyncadd.s32 @!p0 s1  }
0x1cb: {  	[bflag:$0x3] =	sbarrier.arrive $0xFFFF  }
0x1cc: {  	_ =	shalt  }

</sc_bundles>
